<compile_context>
chip_gen: v7x
topology: tpu7x:2x2x1
jax: 0.10.2.dev20260603
libtpu: 0.0.44.dev20260713+nightly
codegen_flags: <defaults>
</compile_context>

<pallas_src>
import functools

import jax
import jax.numpy as jnp
from jax import lax
from jax.experimental import pallas as pl
from jax.experimental.pallas import tpu as pltpu
from jax.experimental.pallas import tpu_sc as plsc

B = 16384
D = 32
CHUNK = 256


def kernel(user_id, item_id, context_id, user_table, item_table, context_table):
    info = plsc.get_sparse_core_info()
    nc, ns = info.num_cores, info.num_subcores
    nw = nc * ns
    b_per_w = B // nw
    n_chunks = b_per_w // CHUNK

    mesh = plsc.VectorSubcoreMesh(core_axis_name="c", subcore_axis_name="s")

    @functools.partial(
        pl.kernel,
        mesh=mesh,
        out_type=jax.ShapeDtypeStruct((B * D,), jnp.float32),
        scratch_types=[
            pltpu.SMEM((b_per_w,), jnp.int32),
            pltpu.SMEM((b_per_w,), jnp.int32),
            pltpu.SMEM((b_per_w,), jnp.int32),
            pltpu.MemorySpace.VMEM_SHARED((ns, 3 * b_per_w), jnp.int32),
            pltpu.VMEM((CHUNK, D), jnp.float32),
            pltpu.VMEM((CHUNK, D), jnp.float32),
            pltpu.VMEM((CHUNK, D), jnp.float32),
            pltpu.VMEM((b_per_w * D,), jnp.float32),
            pltpu.SemaphoreType.DMA,
            pltpu.SemaphoreType.DMA,
            pltpu.SemaphoreType.DMA,
        ],
    )
    def sc_kernel(uid_hbm, iid_hbm, cid_hbm, ut_hbm, it_hbm, ct_hbm, out_hbm,
                  uid_s, iid_s, cid_s, ids_shr,
                  ubuf, ibuf, cbuf, out_v, sem_u, sem_i, sem_c):
        wid = lax.axis_index("s") * nc + lax.axis_index("c")
        sid = lax.axis_index("s")
        base = wid * b_per_w
        pltpu.sync_copy(uid_hbm.at[pl.ds(base, b_per_w)],
                        ids_shr.at[sid, pl.ds(0, b_per_w)])
        pltpu.sync_copy(iid_hbm.at[pl.ds(base, b_per_w)],
                        ids_shr.at[sid, pl.ds(b_per_w, b_per_w)])
        pltpu.sync_copy(cid_hbm.at[pl.ds(base, b_per_w)],
                        ids_shr.at[sid, pl.ds(2 * b_per_w, b_per_w)])
        pltpu.sync_copy(ids_shr.at[sid, pl.ds(0, b_per_w)], uid_s)
        pltpu.sync_copy(ids_shr.at[sid, pl.ds(b_per_w, b_per_w)], iid_s)
        pltpu.sync_copy(ids_shr.at[sid, pl.ds(2 * b_per_w, b_per_w)], cid_s)

        third = jnp.float32(1.0 / 3.0)

        for c in range(n_chunks):
            def fire_body(r, carry):
                dst = pl.ds(r, 1)
                pltpu.async_copy(ut_hbm.at[pl.ds(uid_s[c * CHUNK + r], 1)],
                                 ubuf.at[dst], sem_u)
                pltpu.async_copy(it_hbm.at[pl.ds(iid_s[c * CHUNK + r], 1)],
                                 ibuf.at[dst], sem_i)
                pltpu.async_copy(ct_hbm.at[pl.ds(cid_s[c * CHUNK + r], 1)],
                                 cbuf.at[dst], sem_c)
                return carry

            lax.fori_loop(0, CHUNK, fire_body, 0)

            def drain_body(r, carry):
                dst = pl.ds(r, 1)
                pltpu.make_async_copy(ut_hbm.at[pl.ds(0, 1)], ubuf.at[dst],
                                      sem_u).wait()
                pltpu.make_async_copy(it_hbm.at[pl.ds(0, 1)], ibuf.at[dst],
                                      sem_i).wait()
                pltpu.make_async_copy(ct_hbm.at[pl.ds(0, 1)], cbuf.at[dst],
                                      sem_c).wait()
                return carry

            lax.fori_loop(0, CHUNK, drain_body, 0)

            def avg_body(r, carry):
                for col in range(0, D, 16):
                    s = pl.ds(col, 16)
                    out_v[pl.ds((c * CHUNK + r) * D + col, 16)] = (
                        ubuf[r, s] + ibuf[r, s] + cbuf[r, s]) * third
                return carry

            lax.fori_loop(0, CHUNK, avg_body, 0)

        pltpu.sync_copy(out_v, out_hbm.at[pl.ds(base * D, b_per_w * D)])

    out_flat = sc_kernel(user_id, item_id, context_id,
                         user_table, item_table, context_table)
    return out_flat.reshape(B, D)

# --- scband reference (transcript-rebuilt; emitter-appended) ---
"""Pipeline reference for scband-super-agent-embedding-33414845563267 (READ-ONLY COPY).

The authoritative reference and input builder live on the scoring server;
editing this copy changes nothing except your own understanding.
"""

import jax, jax.numpy as jnp
import numpy as np

B = 16384
EMBED_DIM = 32
VOCABS = {"user_id": 1000000, "item_id": 100000, "context_id": 1000}


def setup_inputs(seed: int = 0) -> dict:
    key = jax.random.key(seed)
    k1, k2, k3, k4, k5, k6 = jax.random.split(key, 6)
    user_id = jax.random.randint(k1, (B,), 0, VOCABS["user_id"], dtype=jnp.int64 if jax.config.jax_enable_x64 else jnp.int32)
    item_id = jax.random.randint(k2, (B,), 0, VOCABS["item_id"], dtype=jnp.int64 if jax.config.jax_enable_x64 else jnp.int32)
    context_id = jax.random.randint(k3, (B,), 0, VOCABS["context_id"], dtype=jnp.int64 if jax.config.jax_enable_x64 else jnp.int32)
    user_table = jax.random.normal(k4, (VOCABS["user_id"], EMBED_DIM), dtype=jnp.float32) * 0.02
    item_table = jax.random.normal(k5, (VOCABS["item_id"], EMBED_DIM), dtype=jnp.float32) * 0.02
    context_table = jax.random.normal(k6, (VOCABS["context_id"], EMBED_DIM), dtype=jnp.float32) * 0.02
    return {
        "user_id": user_id,
        "item_id": item_id,
        "context_id": context_id,
        "user_table": user_table,
        "item_table": item_table,
        "context_table": context_table,
    }


def reference(user_id, item_id, context_id, user_table, item_table, context_table):
    # SuperAgentEmbedding.forward: per-modality embedding lookup, then
    # stack over modalities and mean -> (B, embedding_dim)
    e_user = jnp.take(user_table, user_id, axis=0)
    e_item = jnp.take(item_table, item_id, axis=0)
    e_ctx = jnp.take(context_table, context_id, axis=0)
    return jnp.stack([e_user, e_item, e_ctx], axis=0).mean(axis=0)

if __name__ == "__main__":
    import jax
    _d = setup_inputs()
    print(jax.jit(kernel)(*tuple(_d.values())))

</pallas_src>

<mosaic_0001>
#map = affine_map<(d0, d1) -> (0)>
#map1 = affine_map<(d0, d1) -> (0, 0)>
module attributes {stable_mosaic.version = 14 : i64} {
  func.func @sc_kernel(%arg0: i32, %arg1: i32, %arg2: memref<16384xi32, #tpu.memory_space<hbm>>, %arg3: memref<16384xi32, #tpu.memory_space<hbm>>, %arg4: memref<16384xi32, #tpu.memory_space<hbm>>, %arg5: memref<1000000x32xf32, #tpu.memory_space<hbm>>, %arg6: memref<100000x32xf32, #tpu.memory_space<hbm>>, %arg7: memref<1000x32xf32, #tpu.memory_space<hbm>>, %arg8: memref<524288xf32, #tpu.memory_space<hbm>>, %arg9: memref<512xi32, #tpu.memory_space<smem>>, %arg10: memref<512xi32, #tpu.memory_space<smem>>, %arg11: memref<512xi32, #tpu.memory_space<smem>>, %arg12: memref<16x1536xi32, #tpu.memory_space<vmem_shared>>, %arg13: memref<256x32xf32, #tpu.memory_space<vmem>>, %arg14: memref<256x32xf32, #tpu.memory_space<vmem>>, %arg15: memref<256x32xf32, #tpu.memory_space<vmem>>, %arg16: memref<16384xf32, #tpu.memory_space<vmem>>, %arg17: memref<!tpu.dma_semaphore, #tpu.memory_space<semaphore_mem>>, %arg18: memref<!tpu.dma_semaphore, #tpu.memory_space<semaphore_mem>>, %arg19: memref<!tpu.dma_semaphore, #tpu.memory_space<semaphore_mem>>) attributes {dimension_semantics = [#tpu.dimension_semantics<core_parallel>, #tpu.dimension_semantics<subcore_parallel>], iteration_bounds = array<i64: 2, 16>, scalar_prefetch = 0 : i64, scratch_operands = 11 : i64, tpu.core_type = #tpu.core_type<sc_vector_subcore>, window_params = [{transform_indices = #map}, {transform_indices = #map}, {transform_indices = #map}, {transform_indices = #map1}, {transform_indices = #map1}, {transform_indices = #map1}, {transform_indices = #map}]} {
    %mul3A = arith.constant 2 : i32
    %mul3A_0 = arith.muli %arg1, %mul3A : i32
    %add3A = arith.addi %mul3A_0, %arg0 : i32
    %mul3A_1 = arith.constant 512 : i32
    %mul3A_2 = arith.muli %add3A, %mul3A_1 : i32
    "tpu.region"() ({
      %run_scoped3A = tpu.sem_alloc : memref<!tpu.dma_semaphore, #tpu.memory_space<semaphore_mem>>
      %dma_start3A = arith.constant 0 : i32
      %dma_start3A_42 = tpu.memref_slice %arg12[%arg1, %dma_start3A] : memref<16x1536xi32, #tpu.memory_space<vmem_shared>> -> memref<1x512xi32, #tpu.memory_space<vmem_shared>>
      %dma_start3A_43 = tpu.memref_squeeze %dma_start3A_42 : memref<1x512xi32, #tpu.memory_space<vmem_shared>> -> memref<512xi32, #tpu.memory_space<vmem_shared>>
      %dma_start3A_44 = tpu.memref_slice %arg2[%mul3A_2] : memref<16384xi32, #tpu.memory_space<hbm>> -> memref<512xi32, #tpu.memory_space<hbm>>
      tpu.enqueue_dma source(%dma_start3A_44 : memref<512xi32, #tpu.memory_space<hbm>>) target(%dma_start3A_43 : memref<512xi32, #tpu.memory_space<vmem_shared>>) target_semaphore(%run_scoped3A : memref<!tpu.dma_semaphore, #tpu.memory_space<semaphore_mem>>)
      %dma_wait3A = arith.constant 0 : i32
      %dma_wait3A_45 = tpu.memref_slice %arg12[%arg1, %dma_wait3A] : memref<16x1536xi32, #tpu.memory_space<vmem_shared>> -> memref<1x512xi32, #tpu.memory_space<vmem_shared>>
      %dma_wait3A_46 = tpu.memref_squeeze %dma_wait3A_45 : memref<1x512xi32, #tpu.memory_space<vmem_shared>> -> memref<512xi32, #tpu.memory_space<vmem_shared>>
      %dma_wait3A_47 = tpu.memref_slice %arg2[%mul3A_2] : memref<16384xi32, #tpu.memory_space<hbm>> -> memref<512xi32, #tpu.memory_space<hbm>>
      tpu.wait_dma2 semaphore(%run_scoped3A : memref<!tpu.dma_semaphore, #tpu.memory_space<semaphore_mem>>) src(%dma_wait3A_47 : memref<512xi32, #tpu.memory_space<hbm>>) dst(%dma_wait3A_46 : memref<512xi32, #tpu.memory_space<vmem_shared>>)
      tpu.yield
    }) : () -> ()
    "tpu.region"() ({
      %run_scoped3A = tpu.sem_alloc : memref<!tpu.dma_semaphore, #tpu.memory_space<semaphore_mem>>
      %dma_start3A = arith.constant 512 : i32
      %dma_start3A_42 = tpu.memref_slice %arg12[%arg1, %dma_start3A] : memref<16x1536xi32, #tpu.memory_space<vmem_shared>> -> memref<1x512xi32, #tpu.memory_space<vmem_shared>>
      %dma_start3A_43 = tpu.memref_squeeze %dma_start3A_42 : memref<1x512xi32, #tpu.memory_space<vmem_shared>> -> memref<512xi32, #tpu.memory_space<vmem_shared>>
      %dma_start3A_44 = tpu.memref_slice %arg3[%mul3A_2] : memref<16384xi32, #tpu.memory_space<hbm>> -> memref<512xi32, #tpu.memory_space<hbm>>
      tpu.enqueue_dma source(%dma_start3A_44 : memref<512xi32, #tpu.memory_space<hbm>>) target(%dma_start3A_43 : memref<512xi32, #tpu.memory_space<vmem_shared>>) target_semaphore(%run_scoped3A : memref<!tpu.dma_semaphore, #tpu.memory_space<semaphore_mem>>)
      %dma_wait3A = arith.constant 512 : i32
      %dma_wait3A_45 = tpu.memref_slice %arg12[%arg1, %dma_wait3A] : memref<16x1536xi32, #tpu.memory_space<vmem_shared>> -> memref<1x512xi32, #tpu.memory_space<vmem_shared>>
      %dma_wait3A_46 = tpu.memref_squeeze %dma_wait3A_45 : memref<1x512xi32, #tpu.memory_space<vmem_shared>> -> memref<512xi32, #tpu.memory_space<vmem_shared>>
      %dma_wait3A_47 = tpu.memref_slice %arg3[%mul3A_2] : memref<16384xi32, #tpu.memory_space<hbm>> -> memref<512xi32, #tpu.memory_space<hbm>>
      tpu.wait_dma2 semaphore(%run_scoped3A : memref<!tpu.dma_semaphore, #tpu.memory_space<semaphore_mem>>) src(%dma_wait3A_47 : memref<512xi32, #tpu.memory_space<hbm>>) dst(%dma_wait3A_46 : memref<512xi32, #tpu.memory_space<vmem_shared>>)
      tpu.yield
    }) : () -> ()
    "tpu.region"() ({
      %run_scoped3A = tpu.sem_alloc : memref<!tpu.dma_semaphore, #tpu.memory_space<semaphore_mem>>
      %dma_start3A = arith.constant 1024 : i32
      %dma_start3A_42 = tpu.memref_slice %arg12[%arg1, %dma_start3A] : memref<16x1536xi32, #tpu.memory_space<vmem_shared>> -> memref<1x512xi32, #tpu.memory_space<vmem_shared>>
      %dma_start3A_43 = tpu.memref_squeeze %dma_start3A_42 : memref<1x512xi32, #tpu.memory_space<vmem_shared>> -> memref<512xi32, #tpu.memory_space<vmem_shared>>
      %dma_start3A_44 = tpu.memref_slice %arg4[%mul3A_2] : memref<16384xi32, #tpu.memory_space<hbm>> -> memref<512xi32, #tpu.memory_space<hbm>>
      tpu.enqueue_dma source(%dma_start3A_44 : memref<512xi32, #tpu.memory_space<hbm>>) target(%dma_start3A_43 : memref<512xi32, #tpu.memory_space<vmem_shared>>) target_semaphore(%run_scoped3A : memref<!tpu.dma_semaphore, #tpu.memory_space<semaphore_mem>>)
      %dma_wait3A = arith.constant 1024 : i32
      %dma_wait3A_45 = tpu.memref_slice %arg12[%arg1, %dma_wait3A] : memref<16x1536xi32, #tpu.memory_space<vmem_shared>> -> memref<1x512xi32, #tpu.memory_space<vmem_shared>>
      %dma_wait3A_46 = tpu.memref_squeeze %dma_wait3A_45 : memref<1x512xi32, #tpu.memory_space<vmem_shared>> -> memref<512xi32, #tpu.memory_space<vmem_shared>>
      %dma_wait3A_47 = tpu.memref_slice %arg4[%mul3A_2] : memref<16384xi32, #tpu.memory_space<hbm>> -> memref<512xi32, #tpu.memory_space<hbm>>
      tpu.wait_dma2 semaphore(%run_scoped3A : memref<!tpu.dma_semaphore, #tpu.memory_space<semaphore_mem>>) src(%dma_wait3A_47 : memref<512xi32, #tpu.memory_space<hbm>>) dst(%dma_wait3A_46 : memref<512xi32, #tpu.memory_space<vmem_shared>>)
      tpu.yield
    }) : () -> ()
    "tpu.region"() ({
      %run_scoped3A = tpu.sem_alloc : memref<!tpu.dma_semaphore, #tpu.memory_space<semaphore_mem>>
      %dma_start3A = arith.constant 0 : i32
      %dma_start3A_42 = tpu.memref_slice %arg12[%arg1, %dma_start3A] : memref<16x1536xi32, #tpu.memory_space<vmem_shared>> -> memref<1x512xi32, #tpu.memory_space<vmem_shared>>
      %dma_start3A_43 = tpu.memref_squeeze %dma_start3A_42 : memref<1x512xi32, #tpu.memory_space<vmem_shared>> -> memref<512xi32, #tpu.memory_space<vmem_shared>>
      tpu.enqueue_dma source(%dma_start3A_43 : memref<512xi32, #tpu.memory_space<vmem_shared>>) target(%arg9 : memref<512xi32, #tpu.memory_space<smem>>) target_semaphore(%run_scoped3A : memref<!tpu.dma_semaphore, #tpu.memory_space<semaphore_mem>>)
      %dma_wait3A = arith.constant 0 : i32
      %dma_wait3A_44 = tpu.memref_slice %arg12[%arg1, %dma_wait3A] : memref<16x1536xi32, #tpu.memory_space<vmem_shared>> -> memref<1x512xi32, #tpu.memory_space<vmem_shared>>
      %dma_wait3A_45 = tpu.memref_squeeze %dma_wait3A_44 : memref<1x512xi32, #tpu.memory_space<vmem_shared>> -> memref<512xi32, #tpu.memory_space<vmem_shared>>
      tpu.wait_dma2 semaphore(%run_scoped3A : memref<!tpu.dma_semaphore, #tpu.memory_space<semaphore_mem>>) src(%dma_wait3A_45 : memref<512xi32, #tpu.memory_space<vmem_shared>>) dst(%arg9 : memref<512xi32, #tpu.memory_space<smem>>)
      tpu.yield
    }) : () -> ()
    "tpu.region"() ({
      %run_scoped3A = tpu.sem_alloc : memref<!tpu.dma_semaphore, #tpu.memory_space<semaphore_mem>>
      %dma_start3A = arith.constant 512 : i32
      %dma_start3A_42 = tpu.memref_slice %arg12[%arg1, %dma_start3A] : memref<16x1536xi32, #tpu.memory_space<vmem_shared>> -> memref<1x512xi32, #tpu.memory_space<vmem_shared>>
      %dma_start3A_43 = tpu.memref_squeeze %dma_start3A_42 : memref<1x512xi32, #tpu.memory_space<vmem_shared>> -> memref<512xi32, #tpu.memory_space<vmem_shared>>
      tpu.enqueue_dma source(%dma_start3A_43 : memref<512xi32, #tpu.memory_space<vmem_shared>>) target(%arg10 : memref<512xi32, #tpu.memory_space<smem>>) target_semaphore(%run_scoped3A : memref<!tpu.dma_semaphore, #tpu.memory_space<semaphore_mem>>)
      %dma_wait3A = arith.constant 512 : i32
      %dma_wait3A_44 = tpu.memref_slice %arg12[%arg1, %dma_wait3A] : memref<16x1536xi32, #tpu.memory_space<vmem_shared>> -> memref<1x512xi32, #tpu.memory_space<vmem_shared>>
      %dma_wait3A_45 = tpu.memref_squeeze %dma_wait3A_44 : memref<1x512xi32, #tpu.memory_space<vmem_shared>> -> memref<512xi32, #tpu.memory_space<vmem_shared>>
      tpu.wait_dma2 semaphore(%run_scoped3A : memref<!tpu.dma_semaphore, #tpu.memory_space<semaphore_mem>>) src(%dma_wait3A_45 : memref<512xi32, #tpu.memory_space<vmem_shared>>) dst(%arg10 : memref<512xi32, #tpu.memory_space<smem>>)
      tpu.yield
    }) : () -> ()
    "tpu.region"() ({
      %run_scoped3A = tpu.sem_alloc : memref<!tpu.dma_semaphore, #tpu.memory_space<semaphore_mem>>
      %dma_start3A = arith.constant 1024 : i32
      %dma_start3A_42 = tpu.memref_slice %arg12[%arg1, %dma_start3A] : memref<16x1536xi32, #tpu.memory_space<vmem_shared>> -> memref<1x512xi32, #tpu.memory_space<vmem_shared>>
      %dma_start3A_43 = tpu.memref_squeeze %dma_start3A_42 : memref<1x512xi32, #tpu.memory_space<vmem_shared>> -> memref<512xi32, #tpu.memory_space<vmem_shared>>
      tpu.enqueue_dma source(%dma_start3A_43 : memref<512xi32, #tpu.memory_space<vmem_shared>>) target(%arg11 : memref<512xi32, #tpu.memory_space<smem>>) target_semaphore(%run_scoped3A : memref<!tpu.dma_semaphore, #tpu.memory_space<semaphore_mem>>)
      %dma_wait3A = arith.constant 1024 : i32
      %dma_wait3A_44 = tpu.memref_slice %arg12[%arg1, %dma_wait3A] : memref<16x1536xi32, #tpu.memory_space<vmem_shared>> -> memref<1x512xi32, #tpu.memory_space<vmem_shared>>
      %dma_wait3A_45 = tpu.memref_squeeze %dma_wait3A_44 : memref<1x512xi32, #tpu.memory_space<vmem_shared>> -> memref<512xi32, #tpu.memory_space<vmem_shared>>
      tpu.wait_dma2 semaphore(%run_scoped3A : memref<!tpu.dma_semaphore, #tpu.memory_space<semaphore_mem>>) src(%dma_wait3A_45 : memref<512xi32, #tpu.memory_space<vmem_shared>>) dst(%arg11 : memref<512xi32, #tpu.memory_space<smem>>)
      tpu.yield
    }) : () -> ()
    %scan3A = arith.constant 0 : i32
    %scan3A_3 = arith.constant 0 : i32
    %scan3A_4 = arith.constant 256 : i32
    %scan3A_5 = arith.addi %scan3A_3, %scan3A_4 : i32
    %scan3A_6 = arith.constant 1 : i32
    scf.for %scan3A_42 = %scan3A_3 to %scan3A_5 step %scan3A_6  : i32 {
      %add3A_43 = arith.constant 0 : i32
      %add3A_44 = arith.addi %add3A_43, %scan3A_42 : i32
      %get3A = arith.index_cast %add3A_44 : i32 to index
      %get3A_45 = memref.load %arg9[%get3A] : memref<512xi32, #tpu.memory_space<smem>>
      %dma_start3A = arith.constant 0 : i32
      %dma_start3A_46 = tpu.memref_slice %arg13[%scan3A_42, %dma_start3A] : memref<256x32xf32, #tpu.memory_space<vmem>> -> memref<1x32xf32, #tpu.memory_space<vmem>>
      %dma_start3A_47 = arith.constant 0 : i32
      %dma_start3A_48 = tpu.memref_slice %arg5[%get3A_45, %dma_start3A_47] : memref<1000000x32xf32, #tpu.memory_space<hbm>> -> memref<1x32xf32, #tpu.memory_space<hbm>>
      %dma_start3A_49 = arith.constant 0 : i32
      %dma_start3A_50 = tpu.memref_slice %arg13[%scan3A_42, %dma_start3A_49] : memref<256x32xf32, #tpu.memory_space<vmem>> -> memref<1x32xf32, #tpu.memory_space<vmem>>
      %dma_start3A_51 = arith.constant 0 : i32
      %dma_start3A_52 = tpu.memref_slice %arg5[%get3A_45, %dma_start3A_51] : memref<1000000x32xf32, #tpu.memory_space<hbm>> -> memref<1x32xf32, #tpu.memory_space<hbm>>
      tpu.enqueue_dma source(%dma_start3A_52 : memref<1x32xf32, #tpu.memory_space<hbm>>) target(%dma_start3A_50 : memref<1x32xf32, #tpu.memory_space<vmem>>) target_semaphore(%arg17 : memref<!tpu.dma_semaphore, #tpu.memory_space<semaphore_mem>>)
      %add3A_53 = arith.constant 0 : i32
      %add3A_54 = arith.addi %add3A_53, %scan3A_42 : i32
      %get3A_55 = arith.index_cast %add3A_54 : i32 to index
      %get3A_56 = memref.load %arg10[%get3A_55] : memref<512xi32, #tpu.memory_space<smem>>
      %dma_start3A_57 = arith.constant 0 : i32
      %dma_start3A_58 = tpu.memref_slice %arg14[%scan3A_42, %dma_start3A_57] : memref<256x32xf32, #tpu.memory_space<vmem>> -> memref<1x32xf32, #tpu.memory_space<vmem>>
      %dma_start3A_59 = arith.constant 0 : i32
      %dma_start3A_60 = tpu.memref_slice %arg6[%get3A_56, %dma_start3A_59] : memref<100000x32xf32, #tpu.memory_space<hbm>> -> memref<1x32xf32, #tpu.memory_space<hbm>>
      %dma_start3A_61 = arith.constant 0 : i32
      %dma_start3A_62 = tpu.memref_slice %arg14[%scan3A_42, %dma_start3A_61] : memref<256x32xf32, #tpu.memory_space<vmem>> -> memref<1x32xf32, #tpu.memory_space<vmem>>
      %dma_start3A_63 = arith.constant 0 : i32
      %dma_start3A_64 = tpu.memref_slice %arg6[%get3A_56, %dma_start3A_63] : memref<100000x32xf32, #tpu.memory_space<hbm>> -> memref<1x32xf32, #tpu.memory_space<hbm>>
      tpu.enqueue_dma source(%dma_start3A_64 : memref<1x32xf32, #tpu.memory_space<hbm>>) target(%dma_start3A_62 : memref<1x32xf32, #tpu.memory_space<vmem>>) target_semaphore(%arg18 : memref<!tpu.dma_semaphore, #tpu.memory_space<semaphore_mem>>)
      %add3A_65 = arith.constant 0 : i32
      %add3A_66 = arith.addi %add3A_65, %scan3A_42 : i32
      %get3A_67 = arith.index_cast %add3A_66 : i32 to index
      %get3A_68 = memref.load %arg11[%get3A_67] : memref<512xi32, #tpu.memory_space<smem>>
      %dma_start3A_69 = arith.constant 0 : i32
      %dma_start3A_70 = tpu.memref_slice %arg15[%scan3A_42, %dma_start3A_69] : memref<256x32xf32, #tpu.memory_space<vmem>> -> memref<1x32xf32, #tpu.memory_space<vmem>>
      %dma_start3A_71 = arith.constant 0 : i32
      %dma_start3A_72 = tpu.memref_slice %arg7[%get3A_68, %dma_start3A_71] : memref<1000x32xf32, #tpu.memory_space<hbm>> -> memref<1x32xf32, #tpu.memory_space<hbm>>
      %dma_start3A_73 = arith.constant 0 : i32
      %dma_start3A_74 = tpu.memref_slice %arg15[%scan3A_42, %dma_start3A_73] : memref<256x32xf32, #tpu.memory_space<vmem>> -> memref<1x32xf32, #tpu.memory_space<vmem>>
      %dma_start3A_75 = arith.constant 0 : i32
      %dma_start3A_76 = tpu.memref_slice %arg7[%get3A_68, %dma_start3A_75] : memref<1000x32xf32, #tpu.memory_space<hbm>> -> memref<1x32xf32, #tpu.memory_space<hbm>>
      tpu.enqueue_dma source(%dma_start3A_76 : memref<1x32xf32, #tpu.memory_space<hbm>>) target(%dma_start3A_74 : memref<1x32xf32, #tpu.memory_space<vmem>>) target_semaphore(%arg19 : memref<!tpu.dma_semaphore, #tpu.memory_space<semaphore_mem>>)
    }
    %scan3A_7 = arith.constant 256 : i32
    %scan3A_8 = arith.constant 0 : i32
    %scan3A_9 = arith.constant 0 : i32
    %scan3A_10 = arith.constant 256 : i32
    %scan3A_11 = arith.addi %scan3A_9, %scan3A_10 : i32
    %scan3A_12 = arith.constant 1 : i32
    scf.for %scan3A_42 = %scan3A_9 to %scan3A_11 step %scan3A_12  : i32 {
      %dma_wait3A = arith.constant 0 : i32
      %dma_wait3A_43 = tpu.memref_slice %arg13[%scan3A_42, %dma_wait3A] : memref<256x32xf32, #tpu.memory_space<vmem>> -> memref<1x32xf32, #tpu.memory_space<vmem>>
      %dma_wait3A_44 = arith.constant 0 : i32
      %dma_wait3A_45 = arith.constant 0 : i32
      %dma_wait3A_46 = tpu.memref_slice %arg5[%dma_wait3A_44, %dma_wait3A_45] : memref<1000000x32xf32, #tpu.memory_space<hbm>> -> memref<1x32xf32, #tpu.memory_space<hbm>>
      %dma_wait3A_47 = arith.constant 0 : i32
      %dma_wait3A_48 = tpu.memref_slice %arg13[%scan3A_42, %dma_wait3A_47] : memref<256x32xf32, #tpu.memory_space<vmem>> -> memref<1x32xf32, #tpu.memory_space<vmem>>
      %dma_wait3A_49 = arith.constant 0 : i32
      %dma_wait3A_50 = arith.constant 0 : i32
      %dma_wait3A_51 = tpu.memref_slice %arg5[%dma_wait3A_49, %dma_wait3A_50] : memref<1000000x32xf32, #tpu.memory_space<hbm>> -> memref<1x32xf32, #tpu.memory_space<hbm>>
      tpu.wait_dma2 semaphore(%arg17 : memref<!tpu.dma_semaphore, #tpu.memory_space<semaphore_mem>>) src(%dma_wait3A_51 : memref<1x32xf32, #tpu.memory_space<hbm>>) dst(%dma_wait3A_48 : memref<1x32xf32, #tpu.memory_space<vmem>>)
      %dma_wait3A_52 = arith.constant 0 : i32
      %dma_wait3A_53 = tpu.memref_slice %arg14[%scan3A_42, %dma_wait3A_52] : memref<256x32xf32, #tpu.memory_space<vmem>> -> memref<1x32xf32, #tpu.memory_space<vmem>>
      %dma_wait3A_54 = arith.constant 0 : i32
      %dma_wait3A_55 = arith.constant 0 : i32
      %dma_wait3A_56 = tpu.memref_slice %arg6[%dma_wait3A_54, %dma_wait3A_55] : memref<100000x32xf32, #tpu.memory_space<hbm>> -> memref<1x32xf32, #tpu.memory_space<hbm>>
      %dma_wait3A_57 = arith.constant 0 : i32
      %dma_wait3A_58 = tpu.memref_slice %arg14[%scan3A_42, %dma_wait3A_57] : memref<256x32xf32, #tpu.memory_space<vmem>> -> memref<1x32xf32, #tpu.memory_space<vmem>>
      %dma_wait3A_59 = arith.constant 0 : i32
      %dma_wait3A_60 = arith.constant 0 : i32
      %dma_wait3A_61 = tpu.memref_slice %arg6[%dma_wait3A_59, %dma_wait3A_60] : memref<100000x32xf32, #tpu.memory_space<hbm>> -> memref<1x32xf32, #tpu.memory_space<hbm>>
      tpu.wait_dma2 semaphore(%arg18 : memref<!tpu.dma_semaphore, #tpu.memory_space<semaphore_mem>>) src(%dma_wait3A_61 : memref<1x32xf32, #tpu.memory_space<hbm>>) dst(%dma_wait3A_58 : memref<1x32xf32, #tpu.memory_space<vmem>>)
      %dma_wait3A_62 = arith.constant 0 : i32
      %dma_wait3A_63 = tpu.memref_slice %arg15[%scan3A_42, %dma_wait3A_62] : memref<256x32xf32, #tpu.memory_space<vmem>> -> memref<1x32xf32, #tpu.memory_space<vmem>>
      %dma_wait3A_64 = arith.constant 0 : i32
      %dma_wait3A_65 = arith.constant 0 : i32
      %dma_wait3A_66 = tpu.memref_slice %arg7[%dma_wait3A_64, %dma_wait3A_65] : memref<1000x32xf32, #tpu.memory_space<hbm>> -> memref<1x32xf32, #tpu.memory_space<hbm>>
      %dma_wait3A_67 = arith.constant 0 : i32
      %dma_wait3A_68 = tpu.memref_slice %arg15[%scan3A_42, %dma_wait3A_67] : memref<256x32xf32, #tpu.memory_space<vmem>> -> memref<1x32xf32, #tpu.memory_space<vmem>>
      %dma_wait3A_69 = arith.constant 0 : i32
      %dma_wait3A_70 = arith.constant 0 : i32
      %dma_wait3A_71 = tpu.memref_slice %arg7[%dma_wait3A_69, %dma_wait3A_70] : memref<1000x32xf32, #tpu.memory_space<hbm>> -> memref<1x32xf32, #tpu.memory_space<hbm>>
      tpu.wait_dma2 semaphore(%arg19 : memref<!tpu.dma_semaphore, #tpu.memory_space<semaphore_mem>>) src(%dma_wait3A_71 : memref<1x32xf32, #tpu.memory_space<hbm>>) dst(%dma_wait3A_68 : memref<1x32xf32, #tpu.memory_space<vmem>>)
    }
    %scan3A_13 = arith.constant 256 : i32
    %scan3A_14 = arith.constant 0 : i32
    %scan3A_15 = arith.constant 0.333333343 : f32
    %scan3A_16 = arith.constant 0 : i32
    %scan3A_17 = arith.constant 256 : i32
    %scan3A_18 = arith.addi %scan3A_16, %scan3A_17 : i32
    %scan3A_19 = arith.constant 1 : i32
    scf.for %scan3A_42 = %scan3A_16 to %scan3A_18 step %scan3A_19  : i32 {
      %get3A = arith.index_cast %scan3A_42 : i32 to index
      %get3A_43 = arith.constant 0 : index
      %get3A_44 = tpu.vector_load %arg13[%get3A, %get3A_43] {strides = array<i32>} : memref<256x32xf32, #tpu.memory_space<vmem>>, vector<1x16xf32>,
      %get3A_45 = vector.shape_cast %get3A_44 : vector<1x16xf32> to vector<16xf32>
      %get3A_46 = arith.index_cast %scan3A_42 : i32 to index
      %get3A_47 = arith.constant 0 : index
      %get3A_48 = tpu.vector_load %arg14[%get3A_46, %get3A_47] {strides = array<i32>} : memref<256x32xf32, #tpu.memory_space<vmem>>, vector<1x16xf32>,
      %get3A_49 = vector.shape_cast %get3A_48 : vector<1x16xf32> to vector<16xf32>
      %add3A_50 = arith.addf %get3A_45, %get3A_49 : vector<16xf32>
      %get3A_51 = arith.index_cast %scan3A_42 : i32 to index
      %get3A_52 = arith.constant 0 : index
      %get3A_53 = tpu.vector_load %arg15[%get3A_51, %get3A_52] {strides = array<i32>} : memref<256x32xf32, #tpu.memory_space<vmem>>, vector<1x16xf32>,
      %get3A_54 = vector.shape_cast %get3A_53 : vector<1x16xf32> to vector<16xf32>
      %add3A_55 = arith.addf %add3A_50, %get3A_54 : vector<16xf32>
      %mul3A_56 = vector.broadcast %scan3A_15 : f32 to vector<16xf32>
      %mul3A_57 = arith.mulf %add3A_55, %mul3A_56 : vector<16xf32>
      %add3A_58 = arith.constant 0 : i32
      %add3A_59 = arith.addi %add3A_58, %scan3A_42 : i32
      %mul3A_60 = arith.constant 32 : i32
      %mul3A_61 = arith.muli %add3A_59, %mul3A_60 : i32
      %add3A_62 = arith.constant 0 : i32
      %add3A_63 = arith.addi %mul3A_61, %add3A_62 : i32
      %swap3A = arith.index_cast %add3A_63 : i32 to index
      %swap3A_64 = tpu.vector_load %arg16[%swap3A] {strides = array<i32>} : memref<16384xf32, #tpu.memory_space<vmem>>, vector<16xf32>,
      %swap3A_65 = vector.shape_cast %swap3A_64 : vector<16xf32> to vector<16xf32>
      %swap3A_66 = vector.shape_cast %mul3A_57 : vector<16xf32> to vector<16xf32>
      tpu.vector_store %arg16[%swap3A], %swap3A_66 {strides = array<i32>} : memref<16384xf32, #tpu.memory_space<vmem>>, vector<16xf32>,
      %get3A_67 = arith.index_cast %scan3A_42 : i32 to index
      %get3A_68 = arith.constant 16 : index
      %get3A_69 = tpu.vector_load %arg13[%get3A_67, %get3A_68] {strides = array<i32>} : memref<256x32xf32, #tpu.memory_space<vmem>>, vector<1x16xf32>,
      %get3A_70 = vector.shape_cast %get3A_69 : vector<1x16xf32> to vector<16xf32>
      %get3A_71 = arith.index_cast %scan3A_42 : i32 to index
      %get3A_72 = arith.constant 16 : index
      %get3A_73 = tpu.vector_load %arg14[%get3A_71, %get3A_72] {strides = array<i32>} : memref<256x32xf32, #tpu.memory_space<vmem>>, vector<1x16xf32>,
      %get3A_74 = vector.shape_cast %get3A_73 : vector<1x16xf32> to vector<16xf32>
      %add3A_75 = arith.addf %get3A_70, %get3A_74 : vector<16xf32>
      %get3A_76 = arith.index_cast %scan3A_42 : i32 to index
      %get3A_77 = arith.constant 16 : index
      %get3A_78 = tpu.vector_load %arg15[%get3A_76, %get3A_77] {strides = array<i32>} : memref<256x32xf32, #tpu.memory_space<vmem>>, vector<1x16xf32>,
      %get3A_79 = vector.shape_cast %get3A_78 : vector<1x16xf32> to vector<16xf32>
      %add3A_80 = arith.addf %add3A_75, %get3A_79 : vector<16xf32>
      %mul3A_81 = vector.broadcast %scan3A_15 : f32 to vector<16xf32>
      %mul3A_82 = arith.mulf %add3A_80, %mul3A_81 : vector<16xf32>
      %add3A_83 = arith.constant 0 : i32
      %add3A_84 = arith.addi %add3A_83, %scan3A_42 : i32
      %mul3A_85 = arith.constant 32 : i32
      %mul3A_86 = arith.muli %add3A_84, %mul3A_85 : i32
      %add3A_87 = arith.constant 16 : i32
      %add3A_88 = arith.addi %mul3A_86, %add3A_87 : i32
      %swap3A_89 = arith.index_cast %add3A_88 : i32 to index
      %swap3A_90 = tpu.vector_load %arg16[%swap3A_89] {strides = array<i32>} : memref<16384xf32, #tpu.memory_space<vmem>>, vector<16xf32>,
      %swap3A_91 = vector.shape_cast %swap3A_90 : vector<16xf32> to vector<16xf32>
      %swap3A_92 = vector.shape_cast %mul3A_82 : vector<16xf32> to vector<16xf32>
      tpu.vector_store %arg16[%swap3A_89], %swap3A_92 {strides = array<i32>} : memref<16384xf32, #tpu.memory_space<vmem>>, vector<16xf32>,
    }
    %scan3A_20 = arith.constant 256 : i32
    %scan3A_21 = arith.constant 0 : i32
    %scan3A_22 = arith.constant 0 : i32
    %scan3A_23 = arith.constant 256 : i32
    %scan3A_24 = arith.addi %scan3A_22, %scan3A_23 : i32
    %scan3A_25 = arith.constant 1 : i32
    scf.for %scan3A_42 = %scan3A_22 to %scan3A_24 step %scan3A_25  : i32 {
      %add3A_43 = arith.constant 256 : i32
      %add3A_44 = arith.addi %add3A_43, %scan3A_42 : i32
      %get3A = arith.index_cast %add3A_44 : i32 to index
      %get3A_45 = memref.load %arg9[%get3A] : memref<512xi32, #tpu.memory_space<smem>>
      %dma_start3A = arith.constant 0 : i32
      %dma_start3A_46 = tpu.memref_slice %arg13[%scan3A_42, %dma_start3A] : memref<256x32xf32, #tpu.memory_space<vmem>> -> memref<1x32xf32, #tpu.memory_space<vmem>>
      %dma_start3A_47 = arith.constant 0 : i32
      %dma_start3A_48 = tpu.memref_slice %arg5[%get3A_45, %dma_start3A_47] : memref<1000000x32xf32, #tpu.memory_space<hbm>> -> memref<1x32xf32, #tpu.memory_space<hbm>>
      %dma_start3A_49 = arith.constant 0 : i32
      %dma_start3A_50 = tpu.memref_slice %arg13[%scan3A_42, %dma_start3A_49] : memref<256x32xf32, #tpu.memory_space<vmem>> -> memref<1x32xf32, #tpu.memory_space<vmem>>
      %dma_start3A_51 = arith.constant 0 : i32
      %dma_start3A_52 = tpu.memref_slice %arg5[%get3A_45, %dma_start3A_51] : memref<1000000x32xf32, #tpu.memory_space<hbm>> -> memref<1x32xf32, #tpu.memory_space<hbm>>
      tpu.enqueue_dma source(%dma_start3A_52 : memref<1x32xf32, #tpu.memory_space<hbm>>) target(%dma_start3A_50 : memref<1x32xf32, #tpu.memory_space<vmem>>) target_semaphore(%arg17 : memref<!tpu.dma_semaphore, #tpu.memory_space<semaphore_mem>>)
      %add3A_53 = arith.constant 256 : i32
      %add3A_54 = arith.addi %add3A_53, %scan3A_42 : i32
      %get3A_55 = arith.index_cast %add3A_54 : i32 to index
      %get3A_56 = memref.load %arg10[%get3A_55] : memref<512xi32, #tpu.memory_space<smem>>
      %dma_start3A_57 = arith.constant 0 : i32
      %dma_start3A_58 = tpu.memref_slice %arg14[%scan3A_42, %dma_start3A_57] : memref<256x32xf32, #tpu.memory_space<vmem>> -> memref<1x32xf32, #tpu.memory_space<vmem>>
      %dma_start3A_59 = arith.constant 0 : i32
      %dma_start3A_60 = tpu.memref_slice %arg6[%get3A_56, %dma_start3A_59] : memref<100000x32xf32, #tpu.memory_space<hbm>> -> memref<1x32xf32, #tpu.memory_space<hbm>>
      %dma_start3A_61 = arith.constant 0 : i32
      %dma_start3A_62 = tpu.memref_slice %arg14[%scan3A_42, %dma_start3A_61] : memref<256x32xf32, #tpu.memory_space<vmem>> -> memref<1x32xf32, #tpu.memory_space<vmem>>
      %dma_start3A_63 = arith.constant 0 : i32
      %dma_start3A_64 = tpu.memref_slice %arg6[%get3A_56, %dma_start3A_63] : memref<100000x32xf32, #tpu.memory_space<hbm>> -> memref<1x32xf32, #tpu.memory_space<hbm>>
      tpu.enqueue_dma source(%dma_start3A_64 : memref<1x32xf32, #tpu.memory_space<hbm>>) target(%dma_start3A_62 : memref<1x32xf32, #tpu.memory_space<vmem>>) target_semaphore(%arg18 : memref<!tpu.dma_semaphore, #tpu.memory_space<semaphore_mem>>)
      %add3A_65 = arith.constant 256 : i32
      %add3A_66 = arith.addi %add3A_65, %scan3A_42 : i32
      %get3A_67 = arith.index_cast %add3A_66 : i32 to index
      %get3A_68 = memref.load %arg11[%get3A_67] : memref<512xi32, #tpu.memory_space<smem>>
      %dma_start3A_69 = arith.constant 0 : i32
      %dma_start3A_70 = tpu.memref_slice %arg15[%scan3A_42, %dma_start3A_69] : memref<256x32xf32, #tpu.memory_space<vmem>> -> memref<1x32xf32, #tpu.memory_space<vmem>>
      %dma_start3A_71 = arith.constant 0 : i32
      %dma_start3A_72 = tpu.memref_slice %arg7[%get3A_68, %dma_start3A_71] : memref<1000x32xf32, #tpu.memory_space<hbm>> -> memref<1x32xf32, #tpu.memory_space<hbm>>
      %dma_start3A_73 = arith.constant 0 : i32
      %dma_start3A_74 = tpu.memref_slice %arg15[%scan3A_42, %dma_start3A_73] : memref<256x32xf32, #tpu.memory_space<vmem>> -> memref<1x32xf32, #tpu.memory_space<vmem>>
      %dma_start3A_75 = arith.constant 0 : i32
      %dma_start3A_76 = tpu.memref_slice %arg7[%get3A_68, %dma_start3A_75] : memref<1000x32xf32, #tpu.memory_space<hbm>> -> memref<1x32xf32, #tpu.memory_space<hbm>>
      tpu.enqueue_dma source(%dma_start3A_76 : memref<1x32xf32, #tpu.memory_space<hbm>>) target(%dma_start3A_74 : memref<1x32xf32, #tpu.memory_space<vmem>>) target_semaphore(%arg19 : memref<!tpu.dma_semaphore, #tpu.memory_space<semaphore_mem>>)
    }
    %scan3A_26 = arith.constant 256 : i32
    %scan3A_27 = arith.constant 0 : i32
    %scan3A_28 = arith.constant 0 : i32
    %scan3A_29 = arith.constant 256 : i32
    %scan3A_30 = arith.addi %scan3A_28, %scan3A_29 : i32
    %scan3A_31 = arith.constant 1 : i32
    scf.for %scan3A_42 = %scan3A_28 to %scan3A_30 step %scan3A_31  : i32 {
      %dma_wait3A = arith.constant 0 : i32
      %dma_wait3A_43 = tpu.memref_slice %arg13[%scan3A_42, %dma_wait3A] : memref<256x32xf32, #tpu.memory_space<vmem>> -> memref<1x32xf32, #tpu.memory_space<vmem>>
      %dma_wait3A_44 = arith.constant 0 : i32
      %dma_wait3A_45 = arith.constant 0 : i32
      %dma_wait3A_46 = tpu.memref_slice %arg5[%dma_wait3A_44, %dma_wait3A_45] : memref<1000000x32xf32, #tpu.memory_space<hbm>> -> memref<1x32xf32, #tpu.memory_space<hbm>>
      %dma_wait3A_47 = arith.constant 0 : i32
      %dma_wait3A_48 = tpu.memref_slice %arg13[%scan3A_42, %dma_wait3A_47] : memref<256x32xf32, #tpu.memory_space<vmem>> -> memref<1x32xf32, #tpu.memory_space<vmem>>
      %dma_wait3A_49 = arith.constant 0 : i32
      %dma_wait3A_50 = arith.constant 0 : i32
      %dma_wait3A_51 = tpu.memref_slice %arg5[%dma_wait3A_49, %dma_wait3A_50] : memref<1000000x32xf32, #tpu.memory_space<hbm>> -> memref<1x32xf32, #tpu.memory_space<hbm>>
      tpu.wait_dma2 semaphore(%arg17 : memref<!tpu.dma_semaphore, #tpu.memory_space<semaphore_mem>>) src(%dma_wait3A_51 : memref<1x32xf32, #tpu.memory_space<hbm>>) dst(%dma_wait3A_48 : memref<1x32xf32, #tpu.memory_space<vmem>>)
      %dma_wait3A_52 = arith.constant 0 : i32
      %dma_wait3A_53 = tpu.memref_slice %arg14[%scan3A_42, %dma_wait3A_52] : memref<256x32xf32, #tpu.memory_space<vmem>> -> memref<1x32xf32, #tpu.memory_space<vmem>>
      %dma_wait3A_54 = arith.constant 0 : i32
      %dma_wait3A_55 = arith.constant 0 : i32
      %dma_wait3A_56 = tpu.memref_slice %arg6[%dma_wait3A_54, %dma_wait3A_55] : memref<100000x32xf32, #tpu.memory_space<hbm>> -> memref<1x32xf32, #tpu.memory_space<hbm>>
      %dma_wait3A_57 = arith.constant 0 : i32
      %dma_wait3A_58 = tpu.memref_slice %arg14[%scan3A_42, %dma_wait3A_57] : memref<256x32xf32, #tpu.memory_space<vmem>> -> memref<1x32xf32, #tpu.memory_space<vmem>>
      %dma_wait3A_59 = arith.constant 0 : i32
      %dma_wait3A_60 = arith.constant 0 : i32
      %dma_wait3A_61 = tpu.memref_slice %arg6[%dma_wait3A_59, %dma_wait3A_60] : memref<100000x32xf32, #tpu.memory_space<hbm>> -> memref<1x32xf32, #tpu.memory_space<hbm>>
      tpu.wait_dma2 semaphore(%arg18 : memref<!tpu.dma_semaphore, #tpu.memory_space<semaphore_mem>>) src(%dma_wait3A_61 : memref<1x32xf32, #tpu.memory_space<hbm>>) dst(%dma_wait3A_58 : memref<1x32xf32, #tpu.memory_space<vmem>>)
      %dma_wait3A_62 = arith.constant 0 : i32
      %dma_wait3A_63 = tpu.memref_slice %arg15[%scan3A_42, %dma_wait3A_62] : memref<256x32xf32, #tpu.memory_space<vmem>> -> memref<1x32xf32, #tpu.memory_space<vmem>>
      %dma_wait3A_64 = arith.constant 0 : i32
      %dma_wait3A_65 = arith.constant 0 : i32
      %dma_wait3A_66 = tpu.memref_slice %arg7[%dma_wait3A_64, %dma_wait3A_65] : memref<1000x32xf32, #tpu.memory_space<hbm>> -> memref<1x32xf32, #tpu.memory_space<hbm>>
      %dma_wait3A_67 = arith.constant 0 : i32
      %dma_wait3A_68 = tpu.memref_slice %arg15[%scan3A_42, %dma_wait3A_67] : memref<256x32xf32, #tpu.memory_space<vmem>> -> memref<1x32xf32, #tpu.memory_space<vmem>>
      %dma_wait3A_69 = arith.constant 0 : i32
      %dma_wait3A_70 = arith.constant 0 : i32
      %dma_wait3A_71 = tpu.memref_slice %arg7[%dma_wait3A_69, %dma_wait3A_70] : memref<1000x32xf32, #tpu.memory_space<hbm>> -> memref<1x32xf32, #tpu.memory_space<hbm>>
      tpu.wait_dma2 semaphore(%arg19 : memref<!tpu.dma_semaphore, #tpu.memory_space<semaphore_mem>>) src(%dma_wait3A_71 : memref<1x32xf32, #tpu.memory_space<hbm>>) dst(%dma_wait3A_68 : memref<1x32xf32, #tpu.memory_space<vmem>>)
    }
    %scan3A_32 = arith.constant 256 : i32
    %scan3A_33 = arith.constant 0 : i32
    %scan3A_34 = arith.constant 0.333333343 : f32
    %scan3A_35 = arith.constant 0 : i32
    %scan3A_36 = arith.constant 256 : i32
    %scan3A_37 = arith.addi %scan3A_35, %scan3A_36 : i32
    %scan3A_38 = arith.constant 1 : i32
    scf.for %scan3A_42 = %scan3A_35 to %scan3A_37 step %scan3A_38  : i32 {
      %get3A = arith.index_cast %scan3A_42 : i32 to index
      %get3A_43 = arith.constant 0 : index
      %get3A_44 = tpu.vector_load %arg13[%get3A, %get3A_43] {strides = array<i32>} : memref<256x32xf32, #tpu.memory_space<vmem>>, vector<1x16xf32>,
      %get3A_45 = vector.shape_cast %get3A_44 : vector<1x16xf32> to vector<16xf32>
      %get3A_46 = arith.index_cast %scan3A_42 : i32 to index
      %get3A_47 = arith.constant 0 : index
      %get3A_48 = tpu.vector_load %arg14[%get3A_46, %get3A_47] {strides = array<i32>} : memref<256x32xf32, #tpu.memory_space<vmem>>, vector<1x16xf32>,
      %get3A_49 = vector.shape_cast %get3A_48 : vector<1x16xf32> to vector<16xf32>
      %add3A_50 = arith.addf %get3A_45, %get3A_49 : vector<16xf32>
      %get3A_51 = arith.index_cast %scan3A_42 : i32 to index
      %get3A_52 = arith.constant 0 : index
      %get3A_53 = tpu.vector_load %arg15[%get3A_51, %get3A_52] {strides = array<i32>} : memref<256x32xf32, #tpu.memory_space<vmem>>, vector<1x16xf32>,
      %get3A_54 = vector.shape_cast %get3A_53 : vector<1x16xf32> to vector<16xf32>
      %add3A_55 = arith.addf %add3A_50, %get3A_54 : vector<16xf32>
      %mul3A_56 = vector.broadcast %scan3A_34 : f32 to vector<16xf32>
      %mul3A_57 = arith.mulf %add3A_55, %mul3A_56 : vector<16xf32>
      %add3A_58 = arith.constant 256 : i32
      %add3A_59 = arith.addi %add3A_58, %scan3A_42 : i32
      %mul3A_60 = arith.constant 32 : i32
      %mul3A_61 = arith.muli %add3A_59, %mul3A_60 : i32
      %add3A_62 = arith.constant 0 : i32
      %add3A_63 = arith.addi %mul3A_61, %add3A_62 : i32
      %swap3A = arith.index_cast %add3A_63 : i32 to index
      %swap3A_64 = tpu.vector_load %arg16[%swap3A] {strides = array<i32>} : memref<16384xf32, #tpu.memory_space<vmem>>, vector<16xf32>,
      %swap3A_65 = vector.shape_cast %swap3A_64 : vector<16xf32> to vector<16xf32>
      %swap3A_66 = vector.shape_cast %mul3A_57 : vector<16xf32> to vector<16xf32>
      tpu.vector_store %arg16[%swap3A], %swap3A_66 {strides = array<i32>} : memref<16384xf32, #tpu.memory_space<vmem>>, vector<16xf32>,
      %get3A_67 = arith.index_cast %scan3A_42 : i32 to index
      %get3A_68 = arith.constant 16 : index
      %get3A_69 = tpu.vector_load %arg13[%get3A_67, %get3A_68] {strides = array<i32>} : memref<256x32xf32, #tpu.memory_space<vmem>>, vector<1x16xf32>,
      %get3A_70 = vector.shape_cast %get3A_69 : vector<1x16xf32> to vector<16xf32>
      %get3A_71 = arith.index_cast %scan3A_42 : i32 to index
      %get3A_72 = arith.constant 16 : index
      %get3A_73 = tpu.vector_load %arg14[%get3A_71, %get3A_72] {strides = array<i32>} : memref<256x32xf32, #tpu.memory_space<vmem>>, vector<1x16xf32>,
      %get3A_74 = vector.shape_cast %get3A_73 : vector<1x16xf32> to vector<16xf32>
      %add3A_75 = arith.addf %get3A_70, %get3A_74 : vector<16xf32>
      %get3A_76 = arith.index_cast %scan3A_42 : i32 to index
      %get3A_77 = arith.constant 16 : index
      %get3A_78 = tpu.vector_load %arg15[%get3A_76, %get3A_77] {strides = array<i32>} : memref<256x32xf32, #tpu.memory_space<vmem>>, vector<1x16xf32>,
      %get3A_79 = vector.shape_cast %get3A_78 : vector<1x16xf32> to vector<16xf32>
      %add3A_80 = arith.addf %add3A_75, %get3A_79 : vector<16xf32>
      %mul3A_81 = vector.broadcast %scan3A_34 : f32 to vector<16xf32>
      %mul3A_82 = arith.mulf %add3A_80, %mul3A_81 : vector<16xf32>
      %add3A_83 = arith.constant 256 : i32
      %add3A_84 = arith.addi %add3A_83, %scan3A_42 : i32
      %mul3A_85 = arith.constant 32 : i32
      %mul3A_86 = arith.muli %add3A_84, %mul3A_85 : i32
      %add3A_87 = arith.constant 16 : i32
      %add3A_88 = arith.addi %mul3A_86, %add3A_87 : i32
      %swap3A_89 = arith.index_cast %add3A_88 : i32 to index
      %swap3A_90 = tpu.vector_load %arg16[%swap3A_89] {strides = array<i32>} : memref<16384xf32, #tpu.memory_space<vmem>>, vector<16xf32>,
      %swap3A_91 = vector.shape_cast %swap3A_90 : vector<16xf32> to vector<16xf32>
      %swap3A_92 = vector.shape_cast %mul3A_82 : vector<16xf32> to vector<16xf32>
      tpu.vector_store %arg16[%swap3A_89], %swap3A_92 {strides = array<i32>} : memref<16384xf32, #tpu.memory_space<vmem>>, vector<16xf32>,
    }
    %scan3A_39 = arith.constant 256 : i32
    %mul3A_40 = arith.constant 32 : i32
    %mul3A_41 = arith.muli %mul3A_2, %mul3A_40 : i32
    "tpu.region"() ({
      %run_scoped3A = tpu.sem_alloc : memref<!tpu.dma_semaphore, #tpu.memory_space<semaphore_mem>>
      %dma_start3A = tpu.memref_slice %arg8[%mul3A_41] : memref<524288xf32, #tpu.memory_space<hbm>> -> memref<16384xf32, #tpu.memory_space<hbm>>
      %dma_start3A_42 = tpu.memref_slice %arg8[%mul3A_41] : memref<524288xf32, #tpu.memory_space<hbm>> -> memref<16384xf32, #tpu.memory_space<hbm>>
      tpu.enqueue_dma source(%arg16 : memref<16384xf32, #tpu.memory_space<vmem>>) target(%dma_start3A_42 : memref<16384xf32, #tpu.memory_space<hbm>>) target_semaphore(%run_scoped3A : memref<!tpu.dma_semaphore, #tpu.memory_space<semaphore_mem>>)
      %dma_wait3A = tpu.memref_slice %arg8[%mul3A_41] : memref<524288xf32, #tpu.memory_space<hbm>> -> memref<16384xf32, #tpu.memory_space<hbm>>
      %dma_wait3A_43 = tpu.memref_slice %arg8[%mul3A_41] : memref<524288xf32, #tpu.memory_space<hbm>> -> memref<16384xf32, #tpu.memory_space<hbm>>
      tpu.wait_dma2 semaphore(%run_scoped3A : memref<!tpu.dma_semaphore, #tpu.memory_space<semaphore_mem>>) src(%arg16 : memref<16384xf32, #tpu.memory_space<vmem>>) dst(%dma_wait3A_43 : memref<16384xf32, #tpu.memory_space<hbm>>)
      tpu.yield
    }) : () -> ()
    return
  }
}

</mosaic_0001>

<sc_bundles>
// kernel: kernel.3.cloned.1.call-start
scs
__scs_entry_jumppad:
0x0: {  	(pc) =	sbr.rel $0x88, $3  }
0x1: {  	(tag) =	ssettag $0x0;
	lr =	simm.s32 $0x1  }
0x2: {  	[smem:$0x3F9B] =	sst lr;
	_ =	strace $0xD0000000  }
0x3: {  	_ = 	snop  }
0x4: {  	_ = 	snop  }
0x5: {  	_ = 	snop  }
0x6: {  	_ = 	snop  }
0x7: {  	_ = 	snop  }
__scs_overlays_trampoline_lowered:
0x8: {  	[smem:$0x3FAA] =	sst s0  }
0x9: {  	[smem:$0x3FAB] =	sst s1  }
0xa: {  	[smem:$0x3FAC] =	sst s2  }
0xb: {  	[smem:$0x3FAD] =	sst s3  }
0xc: {  	[smem:$0x3FAE] =	sst s4  }
0xd: {  	[smem:$0x3FAF] =	sst s5  }
0xe: {  	[smem:$0x3FB0] =	sst s6  }
0xf: {  	[smem:$0x3FB1] =	sst s7  }
0x10: {  	[smem:$0x3FB2] =	sst s8  }
0x11: {  	[smem:$0x3FB3] =	sst s9;
	s0 =	simm.s32 @!p0 $0x0  }
0x12: {  	s1 =	sld [smem:$0x3F99];
	s0 =	simm.s32 @p0 $0x1  }
0x13: {  	[smem:$0x3FB4] =	sst s0;
	s0 =	simm.s32 @!p1 $0x0  }
0x14: {  	s2 =	sld [smem:$0x3F98];
	s0 =	simm.s32 @p1 $0x1  }
0x15: {  	[smem:$0x3FB5] =	sst s0;
	s0 =	simm.s32 @!p2 $0x0  }
0x16: {  	s3 =	sld [smem:$0x3FDB];
	s0 =	simm.s32 @p2 $0x1  }
0x17: {  	s4 =	simm.s32 $0x1BF5;
	[smem:$0x3FB7] =	sst s0  }
0x18: {  	s0 =	sld [smem:$0x3F9A];
	_ =	swait.ge [sflag:s4], $0x0  }
0x19: {  	s7 =	sld [smem:$0x3F9B]  }
0x1a: {  	s8 =	sadd.s32 $0xFFFFE003, lr  }
0x1b: {  	s9 =	sadd.s32 $0xFFFFFEF7, lr;
	s5 =	simm.s32 $0xFFFFFFFF;
	p2 =	slt.u32 s8, $0xFFFFF086  }
0x1c: {  	p1 =	slt.u32 s9, $0xF7A;
	s5 =	simm.s32 @!p2 $0x0  }
0x1d: {  	s5 =	simm.s32 @p1 $0x1;
	p0 =	seq.s32 s7, s2  }
0x1e: {  	s7 =	smul.u32 @!p0 $0xF7A, s2;
	p2 =	seq.s32 @!p0 s5, $0x0  }
0x1f: {  	s9 =	smul.u32 $0xF7A, s1;
	s8 =	simm.s32 @!p0 $0x1BF5;
	p2 =	por !p2, p0  }
0x20: {  	[sflag:s8] =	ssyncset.s32 @!p0 $0xFFFFF086;
	s6 =	sadd.s32 @!p0 s3, s7;
	s7 =	simm.s32 @!p0 $0x108  }
0x21: {  	s3 =	sadd.s32 s3, s9;
	s6 =	sadd.s32 @!p0 $0x88, s6;
	s7 =	simm.s32 @p2 $0x1082  }
0x22: {  	[simem:s7], [sflag:s8] =	dma.local @!p0 [hbm:s6], $0xF7A  }
0x23: {  	s9 =	sor.u32 $0xD0000000, s2;
	s6 =	simm.s32 $0x108;
	_ =	swait.ge @!p0 [sflag:s8], $0x0  }
0x24: {  	s3 =	sadd.s32 $0x88, s3;
	s6 =	simm.s32 @!p1 $0x1082;
	[sflag:s4] =	ssyncset.s32 $0xFFFFF086  }
0x25: {  	[simem:s6], [sflag:s4] =	dma.local [hbm:s3], $0xF7A  }
0x26: {  	[smem:$0x3F9B] =	sst s1;
	(tag) =	ssettag s2;
	_ =	strace s9  }
0x27: {  	s1 =	sld [smem:$0x3FAB]  }
0x28: {  	s2 =	sld [smem:$0x3FAC]  }
0x29: {  	s4 =	sld [smem:$0x3FAE]  }
0x2a: {  	p0 =	seq.s32 s5, $0x0;
	s5 =	sld [smem:$0x3FAF]  }
0x2b: {  	s6 =	sld [smem:$0x3FB0]  }
0x2c: {  	s7 =	sld [smem:$0x3FB1]  }
0x2d: {  	s3 =	simm.s32 $0x108;
	s8 =	sld [smem:$0x3FB2]  }
0x2e: {  	s3 =	simm.s32 @!p0 $0x1082;
	s9 =	sld [smem:$0x3FB3]  }
0x2f: {  	lr =	sadd.s32 s0, s3;
	s0 =	sld [smem:$0x3FAA]  }
0x30: {  	s3 =	sld [smem:$0x3FAD]  }
0x31: {  	[smem:$0x3FB6] =	sst s10  }
0x32: {  	s10 =	sld [smem:$0x3FB4];
	_ =	sdelay $0x3  }
0x33: {  	p0 =	seq.s32 s10, $0x1;
	s10 =	sld [smem:$0x3FB6];
	_ =	sdelay $0x3  }
0x34: {  	[smem:$0x3FB6] =	sst s10  }
0x35: {  	s10 =	sld [smem:$0x3FB5];
	_ =	sdelay $0x3  }
0x36: {  	p1 =	seq.s32 s10, $0x1;
	s10 =	sld [smem:$0x3FB6];
	_ =	sdelay $0x3  }
0x37: {  	[smem:$0x3FB6] =	sst s10  }
0x38: {  	s10 =	sld [smem:$0x3FB7]  }
0x39: {  	_ = 	snop;
	(pc) =	sbr.ind lr, $3  }
0x3a: {  	_ = 	snop  }
0x3b: {  	_ = 	snop  }
0x3c: {  	p2 =	seq.s32 s10, $0x1;
	s10 =	sld [smem:$0x3FB6]  }
0x3d: {  	_ =	shalt  }
0x3e: {  	_ =	shalt  }
0x3f: {  	_ =	shalt  }
0x40: {  	_ =	shalt  }
0x41: {  	_ =	shalt  }
0x42: {  	_ =	shalt  }
0x43: {  	_ =	shalt  }
0x44: {  	_ =	shalt  }
0x45: {  	_ =	shalt  }
0x46: {  	_ =	shalt  }
0x47: {  	_ =	shalt  }
0x48: {  	_ =	shalt  }
0x49: {  	_ =	shalt  }
0x4a: {  	_ =	shalt  }
0x4b: {  	_ =	shalt  }
0x4c: {  	_ =	shalt  }
0x4d: {  	_ =	shalt  }
0x4e: {  	_ =	shalt  }
0x4f: {  	_ =	shalt  }
0x50: {  	_ =	shalt  }
0x51: {  	_ =	shalt  }
0x52: {  	_ =	shalt  }
0x53: {  	_ =	shalt  }
0x54: {  	_ =	shalt  }
0x55: {  	_ =	shalt  }
0x56: {  	_ =	shalt  }
0x57: {  	_ =	shalt  }
0x58: {  	_ =	shalt  }
0x59: {  	_ =	shalt  }
0x5a: {  	_ =	shalt  }
0x5b: {  	_ =	shalt  }
0x5c: {  	_ =	shalt  }
0x5d: {  	_ =	shalt  }
0x5e: {  	_ =	shalt  }
0x5f: {  	_ =	shalt  }
0x60: {  	_ =	shalt  }
0x61: {  	_ =	shalt  }
0x62: {  	_ =	shalt  }
0x63: {  	_ =	shalt  }
0x64: {  	_ =	shalt  }
0x65: {  	_ =	shalt  }
0x66: {  	_ =	shalt  }
0x67: {  	_ =	shalt  }
0x68: {  	_ =	shalt  }
0x69: {  	_ =	shalt  }
0x6a: {  	_ =	shalt  }
0x6b: {  	_ =	shalt  }
0x6c: {  	_ =	shalt  }
0x6d: {  	_ =	shalt  }
0x6e: {  	_ =	shalt  }
0x6f: {  	_ =	shalt  }
0x70: {  	_ =	shalt  }
0x71: {  	_ =	shalt  }
0x72: {  	_ =	shalt  }
0x73: {  	_ =	shalt  }
0x74: {  	_ =	shalt  }
0x75: {  	_ =	shalt  }
0x76: {  	_ =	shalt  }
0x77: {  	_ =	shalt  }
0x78: {  	_ =	shalt  }
0x79: {  	_ =	shalt  }
0x7a: {  	_ =	shalt  }
0x7b: {  	_ =	shalt  }
0x7c: {  	_ =	shalt  }
0x7d: {  	_ =	shalt  }
0x7e: {  	_ =	shalt  }
0x7f: {  	_ =	shalt  }
0x80: {  	_ =	shalt  }
0x81: {  	_ =	shalt  }
0x82: {  	_ =	shalt  }
0x83: {  	_ =	shalt  }
0x84: {  	_ =	shalt  }
0x85: {  	_ =	shalt  }
0x86: {  	_ =	shalt  }
0x87: {  	_ =	shalt  }
.Lfunc_end0:
.L_simem_size_0:
called_computation_lowered:
.L_overlay_start_0:
0x88: {  	s2 =	sld [smem:$0x3FD9]  }
0x89: {  	s3 =	sld [smem:$0x3FFE];
	_ =	sdelay $0x1  }
0x8a: {  	s1 =	srdreg.scid  }
0x8b: {  	s0 =	sand.u32 $0x1, s1  }
0x8c: {  	s17 =	sshll.u32 s0, $0xA;
	s2 =	sadd.s32 s3, s2  }
0x8d: {  	s2 =	sadd.s32 s2, s17  }
0x8e: {  	[smem:$0x3FC2] =	sst s2  }
0x8f: {  	_ = 	snop  }
0x90: {  	s2 =	sld [smem:$0x3FC9]  }
0x91: {  	s18 =	sld [smem:$0x3FC8]  }
0x92: {  	s4 =	sld [smem:$0x3FC7]  }
0x93: {  	s5 =	sld [smem:$0x3FD0];
	(tm) =	ssettm $0x1  }
0x94: {  	s6 =	sld [smem:$0x3FFB];
	_ =	sdelay $0x3  }
0x95: {  	_ =	strace s6  }
0x96: {  	s6 =	sld [smem:$0x3FFC];
	_ =	sdelay $0x3  }
0x97: {  	_ =	strace s6  }
0x98: {  	s6 =	sld [smem:$0x3FFD];
	_ =	sdelay $0x3  }
0x99: {  	_ =	strace s6  }
0x9a: {  	_ =	strace $0x8FFFFFFF  }
0x9b: {  	s19 =	sld [smem:$0x3FDB];
	_ =	sdelay $0x1  }
0x9c: {  	s7 =	simm.s32 $_scs_section_size  }
0x9d: {  	s8 =	simm.s32 $_size__tile_overlayer_lowered;
	s9 =	simm.s32 $_tile_overlayer_lowered  }
0x9e: {  	s22 =	simm.s32 $0x1BFF;
	s21 =	sshll.u32 s9, $0x1;
	s6 =	sadd.s32 s7, s19  }
0x9f: {  	s10 =	simm.s32 $0x0;
	s20 =	sshll.u32 s8, $0x1;
	s8 =	sadd.s32 s21, s6  }
0xa0: {  	[timem:s10], [sflag:s22] =	dma.local [hbm:s8], s20  }
0xa1: {  	_ =	swait.ge [sflag:s22], s20  }
0xa2: {  	s7 =	ssub.s32 $0x0, s20;
	[sflag:s22] =	ssyncset.done $0x0  }
0xa3: {  	[sflag:s22] =	ssyncadd.s32 s7;
	_ =	sdelay $0x1  }
0xa4: {  	s23 =	simm.s32 $0x1B8B  }
0xa5: {  	_ =	swait.ge [sflag:s23], $0x1  }
0xa6: {  	[sflag:s23] =	ssyncset.done $0x0  }
0xa7: {  	s25 =	simm.s32 $0x1B8E;
	s24 =	sld [smem:$0x3FFE];
	[sflag:s23] =	ssyncadd.s32 $0xFFFFFFFF  }
0xa8: {  	s26 =	simm.s32 $execute0_lowered;
	[smem:$0x3FD2] =	sst s25  }
0xa9: {  	s8 =	sshll.u32 s26, $0x1;
	_ =	strace $0x80000046;
	[dreg:$0x1] =	wrdreg $0xFFFFFFFF  }
0xaa: {  	s28 =	simm.s32 $_size_execute0_lowered;
	s6 =	sadd.s32 s6, s8;
	[dreg:$0x0] =	wrdreg $0x0  }
0xab: {  	s8 =	sshll.u32 s28, $0x1;
	[dreg:$0x2] =	wrdreg s6  }
0xac: {  	[dreg:$0x3] =	wrdreg s8  }
0xad: {  	[dreg:$0x4] =	wrdreg $0xC0  }
0xae: {  	_ =	task [dreg:s10], $0x5FFFF  }
0xaf: {  	[dreg:$0x1] =	wrdreg $0xFFFFFFFF  }
0xb0: {  	[dreg:$0x0] =	wrdreg $0x60  }
0xb1: {  	[dreg:$0x2] =	wrdreg s2  }
0xb2: {  	[dreg:$0x3] =	wrdreg s18  }
0xb3: {  	[dreg:$0x4] =	wrdreg s4  }
0xb4: {  	[dreg:$0x5] =	wrdreg s24  }
0xb5: {  	[dreg:$0x6] =	wrdreg s5  }
0xb6: {  	[dreg:$0x7] =	wrdreg $0x0  }
0xb7: {  	[dreg:$0x8] =	wrdreg $0x9  }
0xb8: {  	_ =	task.clear_ibuf [dreg:s10], $0x9FFFF;
	_ =	strace $0x90000046  }
0xb9: {  	s29 =	simm.s32 $0x9;
	_ =	strace $0x80000048  }
0xba: {  	_ =	swait.ge [sflag:s29], $0x1  }
0xbb: {  	[sflag:s29] =	ssyncadd.s32 $0xFFFFFFFF  }
0xbc: {  	_ =	strace $0x90000048  }
0xbd: {  	_ =	sfence  }
0xbe: {  	s30 =	sld [smem:$0x0];
	_ =	sdelay $0x2  }
0xbf: {  	s31 =	sshll.u32 s1, $0xD;
	s1 =	sshrl.u32 s1, $0x2  }
0xc0: {  	s3 =	sand.u32 $0x4000, s31;
	s1 =	sadd.s32 s1, s30  }
0xc1: {  	s0 =	sor.u32 s3, s0;
	s1 =	sshll.u32 s1, $0x11  }
0xc2: {  	s0 =	sor.u32 s1, s0  }
0xc3: {  	s0 =	sadd.s32 $0x8F2B, s0  }
0xc4: {  	[sflag:s0] =	ssyncadd.remote.s32 $0x1  }
0xc5: {  	_ =	sfence.sel $0xFFFF  }
0xc6: {  	[dreg:$0x0] =	wrdreg $0xFFFFFFFF;
	(pc) =	sbr.abs _section_cstart, $3  }
0xc7: {  	[dreg:$0x1] =	wrdreg $0xFFFFFFFF  }
0xc8: {  	_ =	task.clear_ibuf [dreg:s10], $0x2FFFF;
	_ =	strace $0x9FFFFFFF  }
0xc9: {  	(tm) =	ssettm $0x7FFFFFFF  }
tec
execute0_lowered:
.L_overlay_start_1:
0x0: {  	(tag) =	ssettag $0x1  }
0x1: {  	s0 =	rddreg [dreg:$0x0]  }
0x2: {  	s1 =	rddreg [dreg:$0x1]  }
0x3: {  	s7 =	rddreg [dreg:$0x2]  }
0x4: {  	s5 =	rddreg [dreg:$0x3]  }
0x5: {  	s10 =	rddreg [dreg:$0x4]  }
0x6: {  	s6 =	rddreg [dreg:$0x5];
	s2 =	simm.s32 $0x0;
	s3 =	srdreg.scid  }
0x7: {  	s15 =	stileid.u32;
	s28 =	simm.s32 $0x10;
	s29 =	simm.s32 $0x4  }
0x8: {  	s31 =	simm.s32 $0x0;
	[smem:$0x7FF] =	sst s2;
	s8 =	sand.u32 $0x1, s3  }
0x9: {  	s3 =	sadd.s32 $0x18AE00, s5;
	s11 =	sshrl.u32 s15, $0x3;
	s4 =	sadd.s32 $0x4400, s5  }
0xa: {  	s5 =	sadd.s32 $0x400, s5;
	s18 =	sshll.u32 s15, $0x1;
	s19 =	sshll.u32 s15, $0x7  }
0xb: {  	s21 =	sshll.u32 s15, $0x6;
	_ =	strace $0x80000047;
	s9 =	ssub.s32 $0x2, s8  }
0xc: {  	s11 =	smul.u32 $0xC000, s11;
	s13 =	sor.u32 s8, s18;
	s8 =	sand.u32 $0x380, s19  }
0xd: {  	s12 =	sshrl.u32 s9, $0x1;
	s14 =	sshll.u32 s13, $0x6;
	s24 =	sshll.u32 s13, $0xB  }
0xe: {  	s12 =	ssub.s32 s9, s12;
	s20 =	sshrl.u32 s11, $0x2;
	s0 =	sadd.s32 s0, s14  }
0xf: {  	s22 =	sadd.s32 s1, s14;
	s23 =	sadd.s32 s7, s14;
	[dreg:$0x7] =	wrdreg s0  }
0x10: {  	s1 =	simm.s32 $0x3;
	s6 =	sadd.s32 s20, s6;
	[dreg:$0x8] =	wrdreg s22  }
0x11: {  	[dreg:$0x9] =	wrdreg s23;
	s0 =	sadd.s32 s10, s24;
	s25 =	smax.u32 s12, $0x1  }
0x12: {  	s6 =	sadd.s32 s8, s6;
	s8 =	sor.u32 $0x1C04, s21;
	[dreg:$0xa] =	wrdreg s0  }
0x13: {  	[dreg:$0xb] =	wrdreg s25;
	s25 =	simm.s32 $0x1;
	s0 =	simm.s32 $0x2  }
0x14: {  	s9 =	sadd.s32 $0x1000, s6;
	s11 =	sadd.s32 $0x2000, s6;
	s26 =	sadd.s32 $0x400, s6  }
0x15: {  	s30 =	sadd.s32 $0x800, s6;
	s17 =	sadd.s32 $0xC00, s6;
	s18 =	sadd.s32 $0x1400, s6  }
0x16: {  	s19 =	sadd.s32 $0x1800, s6;
	s20 =	sadd.s32 $0x1C00, s6;
	s21 =	sadd.s32 $0x2400, s6  }
0x17: {  	s22 =	sadd.s32 $0x2800, s6;
	s23 =	sadd.s32 $0x2C00, s6;
	[dreg:$0xc] =	wrdreg s26  }
0x18: {  	s24 =	sshrl.u32 s6, $0x3;
	[dreg:$0xd] =	wrdreg s30;
	s26 =	simm.s32 $0x80  }
.LBB2_1:
0x19: {  	s7 =	rddreg [dreg:$0x7]  }
0x1a: {  	[spmem:s24@s26], [sflag:s8] =	dma.strided [hbm:s7@s28], $0x40, s25, $0x10   }
0x1b: {  	_ =	swait.ge [sflag:s29], $0x40  }
0x1c: {  	[sflag:s29] =	ssyncset.done $0x0  }
0x1d: {  	s12 =	sshrl.u32 s9, $0x3;
	s10 =	rddreg [dreg:$0x8];
	[sflag:s29] =	ssyncadd.s32 $0xFFFFFFC0  }
0x1e: {  	[spmem:s12@s26], [sflag:s8] =	dma.strided [hbm:s10@s28], $0x40, s25, $0x10   }
0x1f: {  	_ =	swait.ge [sflag:s29], $0x40  }
0x20: {  	[sflag:s29] =	ssyncset.done $0x0  }
0x21: {  	s13 =	sshrl.u32 s11, $0x3;
	s14 =	rddreg [dreg:$0x9];
	[sflag:s29] =	ssyncadd.s32 $0xFFFFFFC0  }
0x22: {  	[spmem:s13@s26], [sflag:s8] =	dma.strided [hbm:s14@s28], $0x40, s25, $0x10   }
0x23: {  	_ =	swait.ge [sflag:s29], $0x40  }
0x24: {  	[sflag:s29] =	ssyncset.done $0x0  }
0x25: {  	[sflag:s29] =	ssyncadd.s32 $0xFFFFFFC0  }
0x26: {  	[smem:s2], [sflag:$0x4] =	stream.linear.gather [spmem:s6], $0x80, $0x38;
	[tilespmem:$0x1C600] =	vst v63  }
0x27: {  	s15 =	rddreg [dreg:$0xc]  }
0x28: {  	[smem:s26], [sflag:$0x4] =	stream.linear.gather [spmem:s15], $0x80, $0x38;
	[tilespmem:$0x1C600] =	vst v63  }
0x29: {  	s16 =	simm.s32 $0x100;
	s7 =	rddreg [dreg:$0xd]  }
0x2a: {  	[smem:s16], [sflag:$0x4] =	stream.linear.gather [spmem:s7], $0x80, $0x38;
	[tilespmem:$0x1C600] =	vst v63  }
0x2b: {  	s12 =	simm.s32 $0x180  }
0x2c: {  	[smem:s12], [sflag:$0x4] =	stream.linear.gather [spmem:s17], $0x80, $0x38;
	[tilespmem:$0x1C600] =	vst v63  }
0x2d: {  	_ =	swait.ge [sflag:s29], $0x200  }
0x2e: {  	[sflag:s29] =	ssyncset.done $0x0  }
0x2f: {  	s13 =	simm.s32 $0x200;
	[sflag:s29] =	ssyncadd.s32 $0xFFFFFE00  }
0x30: {  	[smem:s13], [sflag:$0x4] =	stream.linear.gather [spmem:s9], $0x80, $0x38;
	[tilespmem:$0x1C600] =	vst v63  }
0x31: {  	s14 =	simm.s32 $0x280  }
0x32: {  	[smem:s14], [sflag:$0x4] =	stream.linear.gather [spmem:s18], $0x80, $0x38;
	[tilespmem:$0x1C600] =	vst v63  }
0x33: {  	s15 =	simm.s32 $0x300  }
0x34: {  	[smem:s15], [sflag:$0x4] =	stream.linear.gather [spmem:s19], $0x80, $0x38;
	[tilespmem:$0x1C600] =	vst v63  }
0x35: {  	s16 =	simm.s32 $0x380  }
0x36: {  	[smem:s16], [sflag:$0x4] =	stream.linear.gather [spmem:s20], $0x80, $0x38;
	[tilespmem:$0x1C600] =	vst v63  }
0x37: {  	_ =	swait.ge [sflag:s29], $0x200  }
0x38: {  	[sflag:s29] =	ssyncset.done $0x0  }
0x39: {  	s10 =	simm.s32 $0x400;
	[sflag:s29] =	ssyncadd.s32 $0xFFFFFE00  }
0x3a: {  	[smem:s10], [sflag:$0x4] =	stream.linear.gather [spmem:s11], $0x80, $0x38;
	[tilespmem:$0x1C600] =	vst v63  }
0x3b: {  	s12 =	simm.s32 $0x480  }
0x3c: {  	[smem:s12], [sflag:$0x4] =	stream.linear.gather [spmem:s21], $0x80, $0x38;
	[tilespmem:$0x1C600] =	vst v63  }
0x3d: {  	s13 =	simm.s32 $0x500  }
0x3e: {  	[smem:s13], [sflag:$0x4] =	stream.linear.gather [spmem:s22], $0x80, $0x38;
	[tilespmem:$0x1C600] =	vst v63  }
0x3f: {  	s14 =	simm.s32 $0x580  }
0x40: {  	[smem:s14], [sflag:$0x4] =	stream.linear.gather [spmem:s23], $0x80, $0x38;
	[tilespmem:$0x1C600] =	vst v63  }
0x41: {  	_ =	swait.ge [sflag:s29], $0x200  }
0x42: {  	[sflag:s29] =	ssyncset.done $0x0  }
0x43: {  	[sflag:s29] =	ssyncadd.s32 $0xFFFFFE00  }
0x44: {  	s15 =	sld [smem:$0x0]  }
0x45: {  	s12 =	sld [smem:$0x200]  }
0x46: {  	s13 =	sld [smem:$0x400]  }
0x47: {  	s7 =	sshll.u32 s15, $0x4  }
0x48: {  	s10 =	simm.s32 $0x600;
	s7 =	sand.u32 $0x1FFFFFF0, s7;
	s12 =	sshll.u32 s12, $0x4  }
0x49: {  	s7 =	sadd.s32 s3, s7;
	s14 =	sand.u32 $0x1FFFFFF0, s12;
	s13 =	sshll.u32 s13, $0x4  }
0x4a: {  	[tilespmem:s10], [sflag:$0x1] =	stream.linear.gather [hbm4b:s7+s2], $0x80, $0x38;
	[tilespmem:$0x1C600] =	vst v63  }
0x4b: {  	s12 =	simm.s32 $0x8600;
	s16 =	sadd.s32 s4, s14;
	s13 =	sand.u32 $0x1FFFFFF0, s13  }
0x4c: {  	[tilespmem:s12], [sflag:$0x2] =	stream.linear.gather [hbm4b:s16+s2], $0x80, $0x38;
	[tilespmem:$0x1C600] =	vst v63  }
0x4d: {  	s7 =	simm.s32 $0x10600;
	s13 =	sadd.s32 s5, s13;
	s30 =	sld [smem:$0x1]  }
0x4e: {  	[tilespmem:s7], [sflag:$0x3] =	stream.linear.gather [hbm4b:s13+s2], $0x80, $0x38;
	[tilespmem:$0x1C600] =	vst v63  }
0x4f: {  	s14 =	simm.s32 $0x1;
	s13 =	simm.s32 $0x8;
	s15 =	sld [smem:$0x201]  }
.LBB2_2:
0x50: {  	p0 =	sne.s32 s13, $0x3FC;
	s14 =	sld [smem:s14+$0x400];
	s30 =	sshll.u32 s30, $0x4  }
0x51: {  	s10 =	sadd.s32 $0x80, s10;
	s30 =	sand.u32 $0x1FFFFFF0, s30  }
0x52: {  	s12 =	sadd.s32 $0x80, s12;
	s15 =	sshll.u32 s15, $0x4;
	s30 =	sadd.s32 s3, s30  }
0x53: {  	s15 =	sand.u32 $0x1FFFFFF0, s15;
	s16 =	sshll.u32 s14, $0x4;
	s14 =	sshra.s32 s13, $0x2  }
0x54: {  	[tilespmem:s10], [sflag:$0x1] =	stream.linear.gather [hbm4b:s30+s2], $0x80, $0x38;
	[tilespmem:$0x1C600] =	vst v63  }
.Ltmp0:
0x55: {  	s15 =	sadd.s32 s4, s15;
	s16 =	sand.u32 $0x1FFFFFF0, s16;
	(pc) =	sbr.rel @p0 .LBB2_2-.Ltmp0, $4  }
0x56: {  	[tilespmem:s12], [sflag:$0x2] =	stream.linear.gather [hbm4b:s15+s2], $0x80, $0x38;
	[tilespmem:$0x1C600] =	vst v63  }
0x57: {  	s7 =	sadd.s32 $0x80, s7;
	s15 =	sadd.s32 s5, s16;
	s30 =	sld [smem:s14+$0x0]  }
0x58: {  	[tilespmem:s7], [sflag:$0x3] =	stream.linear.gather [hbm4b:s15+s2], $0x80, $0x38;
	[tilespmem:$0x1C600] =	vst v63  }
0x59: {  	s13 =	sadd.s32 $0x4, s13;
	s15 =	sld [smem:s14+$0x200]  }
0x5a: {  	s13 =	sld [smem:s14+$0x400]  }
0x5b: {  	s30 =	sshll.u32 s30, $0x4  }
0x5c: {  	s10 =	sadd.s32 $0x80, s10;
	s14 =	sand.u32 $0x1FFFFFF0, s30;
	s15 =	sshll.u32 s15, $0x4  }
0x5d: {  	s14 =	sadd.s32 s3, s14;
	s15 =	sand.u32 $0x1FFFFFF0, s15;
	s13 =	sshll.u32 s13, $0x4  }
0x5e: {  	[tilespmem:s10], [sflag:$0x1] =	stream.linear.gather [hbm4b:s14+s2], $0x80, $0x38;
	[tilespmem:$0x1C600] =	vst v63  }
0x5f: {  	s14 =	sadd.s32 $0x80, s12;
	s16 =	sadd.s32 s4, s15;
	s13 =	sand.u32 $0x1FFFFFF0, s13  }
0x60: {  	[tilespmem:s14], [sflag:$0x2] =	stream.linear.gather [hbm4b:s16+s2], $0x80, $0x38;
	[tilespmem:$0x1C600] =	vst v63  }
0x61: {  	s7 =	sadd.s32 $0x80, s7;
	s30 =	sadd.s32 s5, s13  }
0x62: {  	[tilespmem:s7], [sflag:$0x3] =	stream.linear.gather [hbm4b:s30+s2], $0x80, $0x38;
	[tilespmem:$0x1C600] =	vst v63  }
0x63: {  	_ =	swait.ge [sflag:s25], $0x80  }
0x64: {  	[sflag:s25] =	ssyncset.done $0x0  }
0x65: {  	[sflag:s25] =	ssyncadd.s32 $0xFFFFFF80  }
0x66: {  	_ =	swait.ge [sflag:s0], $0x80  }
0x67: {  	[sflag:s0] =	ssyncset.done $0x0  }
0x68: {  	[sflag:s0] =	ssyncadd.s32 $0xFFFFFF80  }
0x69: {  	_ =	swait.ge [sflag:s1], $0x80  }
0x6a: {  	s7 =	simm.s32 $0xFF;
	[sflag:s1] =	ssyncset.done $0x0  }
.LBB2_4:
0x6b: {  	p0 =	sne.s32 s7, $0x1;
	s7 =	sadd.s32 $0xFFFFFFFF, s7;
	[sflag:s1] =	ssyncadd.s32 $0xFFFFFF80  }
0x6c: {  	_ =	swait.ge [sflag:s25], $0x80  }
0x6d: {  	[sflag:s25] =	ssyncset.done $0x0  }
0x6e: {  	[sflag:s25] =	ssyncadd.s32 $0xFFFFFF80  }
.Ltmp1:
0x6f: {  	_ =	swait.ge [sflag:s0], $0x80;
	(pc) =	sbr.rel @p0 .LBB2_4-.Ltmp1, $4  }
0x70: {  	[sflag:s0] =	ssyncset.done $0x0  }
0x71: {  	[sflag:s0] =	ssyncadd.s32 $0xFFFFFF80  }
0x72: {  	_ =	swait.ge [sflag:s1], $0x80  }
0x73: {  	[sflag:s1] =	ssyncset.done $0x0  }
0x74: {  	[sflag:s1] =	ssyncadd.s32 $0xFFFFFF80;
	s10 =	simm.s32 $0x0  }
0x75: {  	v0 =	vld [tilespmem:s10+$0x600]  }
0x76: {  	v1 =	vld [tilespmem:s10+$0x8600];
	_ =	sdelay $0x1  }
0x77: {  	v2 =	vld [tilespmem:s10+$0x10600];
	_ =	sdelay $0x2  }
0x78: {  	v0 =	vadd.f32 v1, v0;
	_ =	sdelay $0x1  }
0x79: {  	v0 =	vadd.f32 v2, v0;
	_ =	sdelay $0x1  }
0x7a: {  	v0 =	vmul.f32 $3.333333430e-01, v0  }
0x7b: {  	s7 =	simm.s32 $0x18610  }
0x7c: {  	[tilespmem:s7+$0xFFFFFFF0] =	vst v0  }
0x7d: {  	v0 =	vld [tilespmem:s10+$0x610]  }
0x7e: {  	v1 =	vld [tilespmem:s10+$0x8610];
	_ =	sdelay $0x1  }
0x7f: {  	v2 =	vld [tilespmem:s10+$0x10610];
	_ =	sdelay $0x2  }
0x80: {  	v0 =	vadd.f32 v1, v0;
	_ =	sdelay $0x1  }
0x81: {  	s12 =	simm.s32 $0x18610;
	s10 =	simm.s32 $0x200;
	v0 =	vadd.f32 v2, v0  }
.LBB2_6:
0x82: {  	p0 =	sne.s32 s10, $0x1FE00  }
0x83: {  	s7 =	sadd.s32 $0x20, s7;
	s13 =	smov.u32 s10;
	s10 =	sadd.s32 $0x200, s10  }
0x84: {  	v0 =	vmul.f32 $3.333333430e-01, v0  }
0x85: {  	s13 =	sshra.s32 s13, $0x2  }
0x86: {  	[tilespmem:s12+$0x0] =	vst v0;
	s12 =	smov.u32 s7  }
0x87: {  	v0 =	vld [tilespmem:s13+$0x600]  }
0x88: {  	v1 =	vld [tilespmem:s13+$0x8600];
	_ =	sdelay $0x1  }
0x89: {  	v2 =	vld [tilespmem:s13+$0x10600];
	_ =	sdelay $0x2  }
0x8a: {  	v0 =	vadd.f32 v1, v0;
	_ =	sdelay $0x1  }
0x8b: {  	v0 =	vadd.f32 v2, v0;
	_ =	sdelay $0x1  }
0x8c: {  	v0 =	vmul.f32 $3.333333430e-01, v0;
	_ =	sdelay $0x1  }
0x8d: {  	[tilespmem:s7+$0xFFFFFFF0] =	vst v0  }
0x8e: {  	v0 =	vld [tilespmem:s13+$0x610]  }
0x8f: {  	v1 =	vld [tilespmem:s13+$0x8610];
	_ =	sdelay $0x1  }
0x90: {  	v2 =	vld [tilespmem:s13+$0x10610]  }
.Ltmp2:
0x91: {  	(pc) =	sbr.rel @p0 .LBB2_6-.Ltmp2, $3  }
0x92: {  	_ = 	snop  }
0x93: {  	v0 =	vadd.f32 v1, v0;
	_ =	sdelay $0x1  }
0x94: {  	v0 =	vadd.f32 v2, v0  }
0x95: {  	_ = 	snop  }
0x96: {  	v0 =	vmul.f32 $3.333333430e-01, v0;
	_ =	sdelay $0x1  }
0x97: {  	[tilespmem:s12+$0x0] =	vst v0  }
0x98: {  	s7 =	sld [smem:$0x100]  }
0x99: {  	s15 =	sld [smem:$0x300]  }
0x9a: {  	s13 =	sld [smem:$0x500]  }
0x9b: {  	s7 =	sshll.u32 s7, $0x4  }
0x9c: {  	s10 =	simm.s32 $0x600;
	s7 =	sand.u32 $0x1FFFFFF0, s7;
	s12 =	sshll.u32 s15, $0x4  }
0x9d: {  	s7 =	sadd.s32 s3, s7;
	s14 =	sand.u32 $0x1FFFFFF0, s12;
	s13 =	sshll.u32 s13, $0x4  }
0x9e: {  	[tilespmem:s10], [sflag:$0x1] =	stream.linear.gather [hbm4b:s7+s2], $0x80, $0x38;
	[tilespmem:$0x1C600] =	vst v63  }
0x9f: {  	s12 =	simm.s32 $0x8600;
	s16 =	sadd.s32 s4, s14;
	s13 =	sand.u32 $0x1FFFFFF0, s13  }
0xa0: {  	[tilespmem:s12], [sflag:$0x2] =	stream.linear.gather [hbm4b:s16+s2], $0x80, $0x38;
	[tilespmem:$0x1C600] =	vst v63  }
0xa1: {  	s7 =	simm.s32 $0x10600;
	s13 =	sadd.s32 s5, s13;
	s30 =	sld [smem:$0x101]  }
0xa2: {  	[tilespmem:s7], [sflag:$0x3] =	stream.linear.gather [hbm4b:s13+s2], $0x80, $0x38;
	[tilespmem:$0x1C600] =	vst v63  }
0xa3: {  	s14 =	simm.s32 $0x1;
	s13 =	simm.s32 $0x8;
	s15 =	sld [smem:$0x301]  }
.LBB2_8:
0xa4: {  	p0 =	sne.s32 s13, $0x3FC;
	s14 =	sld [smem:s14+$0x500];
	s16 =	sshll.u32 s30, $0x4  }
0xa5: {  	s10 =	sadd.s32 $0x80, s10;
	s16 =	sand.u32 $0x1FFFFFF0, s16  }
0xa6: {  	s12 =	sadd.s32 $0x80, s12;
	s15 =	sshll.u32 s15, $0x4;
	s16 =	sadd.s32 s3, s16  }
0xa7: {  	s15 =	sand.u32 $0x1FFFFFF0, s15;
	s30 =	sshll.u32 s14, $0x4;
	s14 =	sshra.s32 s13, $0x2  }
0xa8: {  	[tilespmem:s10], [sflag:$0x1] =	stream.linear.gather [hbm4b:s16+s2], $0x80, $0x38;
	[tilespmem:$0x1C600] =	vst v63  }
.Ltmp3:
0xa9: {  	s15 =	sadd.s32 s4, s15;
	s16 =	sand.u32 $0x1FFFFFF0, s30;
	(pc) =	sbr.rel @p0 .LBB2_8-.Ltmp3, $4  }
0xaa: {  	[tilespmem:s12], [sflag:$0x2] =	stream.linear.gather [hbm4b:s15+s2], $0x80, $0x38;
	[tilespmem:$0x1C600] =	vst v63  }
0xab: {  	s7 =	sadd.s32 $0x80, s7;
	s15 =	sadd.s32 s5, s16;
	s30 =	sld [smem:s14+$0x100]  }
0xac: {  	[tilespmem:s7], [sflag:$0x3] =	stream.linear.gather [hbm4b:s15+s2], $0x80, $0x38;
	[tilespmem:$0x1C600] =	vst v63  }
0xad: {  	s13 =	sadd.s32 $0x4, s13;
	s15 =	sld [smem:s14+$0x300]  }
0xae: {  	s13 =	sld [smem:s14+$0x500]  }
0xaf: {  	s30 =	sshll.u32 s30, $0x4  }
0xb0: {  	s10 =	sadd.s32 $0x80, s10;
	s14 =	sand.u32 $0x1FFFFFF0, s30;
	s15 =	sshll.u32 s15, $0x4  }
0xb1: {  	s14 =	sadd.s32 s3, s14;
	s15 =	sand.u32 $0x1FFFFFF0, s15;
	s13 =	sshll.u32 s13, $0x4  }
0xb2: {  	[tilespmem:s10], [sflag:$0x1] =	stream.linear.gather [hbm4b:s14+s2], $0x80, $0x38;
	[tilespmem:$0x1C600] =	vst v63  }
0xb3: {  	s14 =	sadd.s32 $0x80, s12;
	s16 =	sadd.s32 s4, s15;
	s13 =	sand.u32 $0x1FFFFFF0, s13  }
0xb4: {  	[tilespmem:s14], [sflag:$0x2] =	stream.linear.gather [hbm4b:s16+s2], $0x80, $0x38;
	[tilespmem:$0x1C600] =	vst v63  }
0xb5: {  	s7 =	sadd.s32 $0x80, s7;
	s30 =	sadd.s32 s5, s13  }
0xb6: {  	[tilespmem:s7], [sflag:$0x3] =	stream.linear.gather [hbm4b:s30+s2], $0x80, $0x38;
	[tilespmem:$0x1C600] =	vst v63  }
0xb7: {  	_ =	swait.ge [sflag:s25], $0x80  }
0xb8: {  	[sflag:s25] =	ssyncset.done $0x0  }
0xb9: {  	[sflag:s25] =	ssyncadd.s32 $0xFFFFFF80  }
0xba: {  	_ =	swait.ge [sflag:s0], $0x80  }
0xbb: {  	[sflag:s0] =	ssyncset.done $0x0  }
0xbc: {  	[sflag:s0] =	ssyncadd.s32 $0xFFFFFF80  }
0xbd: {  	_ =	swait.ge [sflag:s1], $0x80  }
0xbe: {  	s7 =	simm.s32 $0xFF;
	[sflag:s1] =	ssyncset.done $0x0  }
.LBB2_10:
0xbf: {  	p0 =	sne.s32 s7, $0x1;
	s7 =	sadd.s32 $0xFFFFFFFF, s7;
	[sflag:s1] =	ssyncadd.s32 $0xFFFFFF80  }
0xc0: {  	_ =	swait.ge [sflag:s25], $0x80  }
0xc1: {  	[sflag:s25] =	ssyncset.done $0x0  }
0xc2: {  	[sflag:s25] =	ssyncadd.s32 $0xFFFFFF80  }
.Ltmp4:
0xc3: {  	_ =	swait.ge [sflag:s0], $0x80;
	(pc) =	sbr.rel @p0 .LBB2_10-.Ltmp4, $4  }
0xc4: {  	[sflag:s0] =	ssyncset.done $0x0  }
0xc5: {  	[sflag:s0] =	ssyncadd.s32 $0xFFFFFF80  }
0xc6: {  	_ =	swait.ge [sflag:s1], $0x80  }
0xc7: {  	[sflag:s1] =	ssyncset.done $0x0  }
0xc8: {  	[sflag:s1] =	ssyncadd.s32 $0xFFFFFF80;
	s30 =	simm.s32 $0x610  }
0xc9: {  	s7 =	simm.s32 $0x8610;
	v0 =	vld [tilespmem:s30+$0xFFFFFFF0]  }
0xca: {  	v1 =	vld [tilespmem:s7+$0xFFFFFFF0]  }
0xcb: {  	s10 =	simm.s32 $0x10610  }
0xcc: {  	v2 =	vld [tilespmem:s10+$0xFFFFFFF0];
	_ =	sdelay $0x2  }
0xcd: {  	v0 =	vadd.f32 v1, v0;
	_ =	sdelay $0x1  }
0xce: {  	v0 =	vadd.f32 v2, v0;
	_ =	sdelay $0x1  }
0xcf: {  	s12 =	simm.s32 $0x0;
	v0 =	vmul.f32 $3.333333430e-01, v0  }
0xd0: {  	s12 =	sand.u32 $0x1FE0, s12  }
0xd1: {  	[tilespmem:s12+$0x1A600] =	vst v0  }
0xd2: {  	v0 =	vld [tilespmem:s30+$0x0]  }
0xd3: {  	v1 =	vld [tilespmem:s7+$0x0];
	_ =	sdelay $0x1  }
0xd4: {  	v2 =	vld [tilespmem:s10+$0x0];
	_ =	sdelay $0x2  }
0xd5: {  	v0 =	vadd.f32 v1, v0;
	_ =	sdelay $0x1  }
0xd6: {  	v0 =	vadd.f32 v2, v0  }
0xd7: {  	s13 =	simm.s32 $0x10690  }
0xd8: {  	s14 =	simm.s32 $0x1A610;
	s12 =	simm.s32 $0x20;
	s10 =	simm.s32 $0x1A610;
	v0 =	vmul.f32 $3.333333430e-01, v0  }
.LBB2_12:
0xd9: {  	s10 =	sadd.s32 $0x20, s10  }
0xda: {  	s30 =	sadd.s32 $0x80, s30;
	s7 =	sadd.s32 $0x80, s7;
	s15 =	smov.u32 s12  }
0xdb: {  	p0 =	sne.s32 s12, $0x1FE0;
	s12 =	sadd.s32 $0x20, s12;
	[tilespmem:s14+$0x0] =	vst v0;
	s14 =	smov.u32 s10  }
0xdc: {  	v0 =	vld [tilespmem:s30+$0xFFFFFFF0]  }
0xdd: {  	v1 =	vld [tilespmem:s7+$0xFFFFFFF0];
	_ =	sdelay $0x1  }
0xde: {  	v2 =	vld [tilespmem:s13+$0xFFFFFFF0];
	_ =	sdelay $0x2  }
0xdf: {  	v0 =	vadd.f32 v1, v0;
	_ =	sdelay $0x1  }
0xe0: {  	v0 =	vadd.f32 v2, v0;
	_ =	sdelay $0x1  }
0xe1: {  	v0 =	vmul.f32 $3.333333430e-01, v0  }
0xe2: {  	s15 =	sand.u32 $0x1FE0, s15  }
0xe3: {  	[tilespmem:s15+$0x1A600] =	vst v0  }
0xe4: {  	v0 =	vld [tilespmem:s30+$0x0]  }
0xe5: {  	v1 =	vld [tilespmem:s7+$0x0]  }
0xe6: {  	v2 =	vld [tilespmem:s13+$0x0];
	_ =	sdelay $0x3  }
.Ltmp5:
0xe7: {  	v0 =	vadd.f32 v1, v0;
	(pc) =	sbr.rel @p0 .LBB2_12-.Ltmp5, $3  }
0xe8: {  	_ = 	snop  }
0xe9: {  	v0 =	vadd.f32 v2, v0;
	_ =	sdelay $0x1  }
0xea: {  	s13 =	sadd.s32 $0x80, s13;
	v0 =	vmul.f32 $3.333333430e-01, v0  }
0xeb: {  	_ = 	snop  }
0xec: {  	s7 =	rddreg [dreg:$0xa];
	s10 =	simm.s32 $0x18600;
	[tilespmem:s14+$0x0] =	vst v0  }
0xed: {  	[hbm4b:s7+s2] =	stream.linear.scatter [tilespmem:s10], [sflag:$0x4], $0x4000, $0x38;
	[tilespmem:$0x1C600] =	vst v63  }
0xee: {  	_ =	swait.ge [sflag:s29], $0x4000  }
0xef: {  	s31 =	sadd.s32 $0x1, s31;
	s30 =	rddreg [dreg:$0xb]  }
0xf0: {  	p0 =	sne.s32 s31, s30  }
.Ltmp6:
0xf1: {  	_ = 	snop;
	(pc) =	sbr.rel @p0 .LBB2_1-.Ltmp6, $3  }
0xf2: {  	_ =	sdelay $0x1  }
0xf3: {  	[sflag:s29] =	ssyncset.done $0x0  }
0xf4: {  	[sflag:s29] =	ssyncadd.s32 $0xFFFFC000  }
0xf5: {  	_ =	sfence.sel $0x180000  }
0xf6: {  	[bflag:$0x0] =	sbarrier.arrive $0xFFFF  }
0xf7: {  	_ =	strace $0x90000047  }
0xf8: {  	s0 =	stileid.u32;
	[bflag:$0x2] =	sbarrier.arrive $0xFFFF  }
0xf9: {  	p0 =	sne.s32 s0, $0x0;
	s0 =	rddreg [dreg:$0x6]  }
0xfa: {  	s0 =	sadd.s32 @!p0 $0x100000, s0  }
0xfb: {  	[sflag:s0] =	ssyncadd.tile.s32 @!p0 $0x1;
	_ =	shalt  }
.Lfunc_end2:
_tile_overlayer_lowered:
.L_overlay_start_2:
0xfc: {  	(tag) =	ssettag $0x2  }
0xfd: {  	s0 =	rddreg [dreg:$0x0];
	s2 =	stileid.u32  }
0xfe: {  	s1 =	rddreg [dreg:$0x1];
	p0 =	sne.s32 s2, $0x0  }
0xff: {  	s3 =	rddreg [dreg:$0x2];
	[bflag:$0x3] =	sbarrier.arrive $0xFFFF;
	s2 =	simm.s32 @!p0 $0x1C04  }
0x100: {  	[timem:s3], [sflag:s2] =	dma.local @!p0 [hbm:s0], s1  }
0x101: {  	s0 =	simm.s32 @!p0 $0x4  }
0x102: {  	_ =	swait.ge @!p0 [sflag:s0], s1  }
0x103: {  	s1 =	ssub.s32 @!p0 $0x0, s1;
	[sflag:s0] =	ssyncset.done @!p0 $0x0  }
0x104: {  	[sflag:s0] =	ssyncadd.s32 @!p0 s1  }
0x105: {  	[bflag:$0x3] =	sbarrier.arrive $0xFFFF  }
0x106: {  	_ =	shalt  }

</sc_bundles>
